<compile_context>
chip_gen: v7x
topology: tpu7x:2x2x1
jax: 0.10.2.dev20260603
libtpu: 0.0.44.dev20260713+nightly
codegen_flags: <defaults>
</compile_context>

<pallas_src>
import jax
import jax.numpy as jnp
from jax import lax
from jax.experimental import pallas as pl
from jax.experimental.pallas import tpu as pltpu
from jax.experimental.pallas import tpu_sc as plsc

N_NODES = 100000
NW = 32
G = 8
C_NODES = 16 * G
CHUNKS = 25
TILE_NODES = C_NODES * CHUNKS
N_PAD = TILE_NODES * NW
SEG_W = 256
SEGS = C_NODES * 32 // SEG_W
T_PAD = 100352
T_PER_TILE = T_PAD // 16


def _sc_body(table_hbm, idx_hbm, ox_hbm, oy_hbm, oz_hbm,
             table_sh, idx_v, gbuf, obx, oby, obz, sem):
    cid = lax.axis_index("c")
    sid = lax.axis_index("s")
    wid = sid * 2 + cid
    lane = lax.iota(jnp.int32, 16)
    lane_off = lane * 32
    cols = [jnp.full((16,), c, jnp.int32) for c in range(4)]

    trow = sid * T_PER_TILE
    pltpu.sync_copy(table_hbm.at[pl.ds(trow, T_PER_TILE)],
                    table_sh.at[pl.ds(trow, T_PER_TILE)])
    plsc.subcore_barrier()

    def chunk_body(c, carry):
        seg_base = (wid * CHUNKS + c) * SEGS
        pltpu.sync_copy(idx_hbm.at[pl.ds(seg_base, SEGS)], idx_v)
        cps = [
            pltpu.async_copy(table_sh.at[idx_v.at[s]],
                             gbuf.at[pl.ds(s * SEG_W, SEG_W)], sem)
            for s in range(SEGS)
        ]
        for cp in cps:
            cp.wait()

        def group_body(g, carry2):
            rowbase = g * 512
            zero = jnp.zeros((16,), jnp.float32)
            sxx = sxy = sxz = syy = syz = szz = dx_ = dy_ = dz_ = zero
            for k in range(16):
                r1 = lane_off + (rowbase + 2 * k)
                r2 = r1 + 1
                x1 = plsc.load_gather(gbuf, [r1, cols[0]])
                y1 = plsc.load_gather(gbuf, [r1, cols[1]])
                z1 = plsc.load_gather(gbuf, [r1, cols[2]])
                u1 = plsc.load_gather(gbuf, [r1, cols[3]])
                x2 = plsc.load_gather(gbuf, [r2, cols[0]])
                y2 = plsc.load_gather(gbuf, [r2, cols[1]])
                z2 = plsc.load_gather(gbuf, [r2, cols[2]])
                u2 = plsc.load_gather(gbuf, [r2, cols[3]])
                dx = x1 - x2
                dy = y1 - y2
                dz = z1 - z2
                du = u1 - u2
                r2sq = dx * dx + dy * dy + dz * dz
                w2 = jnp.where(r2sq == 0.0, jnp.float32(1.0), 1.0 / r2sq)
                t = w2 * dx
                s = w2 * dy
                r = w2 * dz
                sxx = sxx + t * dx
                sxy = sxy + t * dy
                sxz = sxz + t * dz
                dx_ = dx_ + t * du
                syy = syy + s * dy
                syz = syz + s * dz
                dy_ = dy_ + s * du
                szz = szz + r * dz
                dz_ = dz_ + r * du
            m0 = syy * szz - syz * syz
            m1 = sxy * szz - syz * sxz
            m2 = sxy * syz - syy * sxz
            det_a = sxx * m0 - sxy * m1 + sxz * m2
            nx = dx_ * m0 - dy_ * m1 + dz_ * m2
            ny = (sxx * (dy_ * szz - dz_ * syz)
                  - sxy * (dx_ * szz - dz_ * sxz)
                  + sxz * (dx_ * syz - dy_ * sxz))
            nz = (sxx * (syy * dz_ - syz * dy_)
                  - sxy * (sxy * dz_ - syz * dx_)
                  + sxz * (sxy * dy_ - syy * dx_))
            inv_det = 1.0 / det_a
            obx[pl.ds(g * 16, 16)] = nx * inv_det
            oby[pl.ds(g * 16, 16)] = ny * inv_det
            obz[pl.ds(g * 16, 16)] = nz * inv_det
            return carry2

        lax.fori_loop(0, G, group_body, 0)
        out_base = wid * TILE_NODES + c * C_NODES
        pltpu.sync_copy(obx, ox_hbm.at[pl.ds(out_base, C_NODES)])
        pltpu.sync_copy(oby, oy_hbm.at[pl.ds(out_base, C_NODES)])
        pltpu.sync_copy(obz, oz_hbm.at[pl.ds(out_base, C_NODES)])
        return carry

    lax.fori_loop(0, CHUNKS, chunk_body, 0)


@jax.jit
def _run(table, idx2d):
    f32 = jnp.float32
    out = jax.ShapeDtypeStruct((N_PAD,), f32)
    call = pl.kernel(
        _sc_body,
        out_type=[out, out, out],
        mesh=plsc.VectorSubcoreMesh(core_axis_name="c", subcore_axis_name="s"),
        scratch_types=[
            pltpu.VMEM_SHARED((T_PAD, 4), f32),
            pltpu.VMEM((SEGS, SEG_W), jnp.int32),
            pltpu.VMEM((512 * G, 4), f32),
            pltpu.VMEM((C_NODES,), f32),
            pltpu.VMEM((C_NODES,), f32),
            pltpu.VMEM((C_NODES,), f32),
            pltpu.SemaphoreType.DMA,
        ],
        compiler_params=pltpu.CompilerParams(
            needs_layout_passes=False, use_tc_tiling_on_sc=False),
    )
    return call(table, idx2d)


def kernel(coordinates, u, connectivity_tensor):
    n = coordinates.shape[0]
    table = jnp.concatenate([coordinates, u], axis=1)
    table = jnp.pad(table, ((0, T_PAD - n), (0, 0)))
    idx = connectivity_tensor.reshape(n, 32).astype(jnp.int32)
    idx = jnp.pad(idx, ((0, N_PAD - n), (0, 0)))
    idx2d = idx.reshape(N_PAD * 32 // SEG_W, SEG_W)
    ox, oy, oz = _run(table, idx2d)
    return (ox[:n, None], oy[:n, None], oz[:n, None])

# --- scband reference (transcript-rebuilt; emitter-appended) ---
"""Pipeline reference for scband-gradients-least-squares-4286377362017 (READ-ONLY COPY).

The authoritative reference and input builder live on the scoring server;
editing this copy changes nothing except your own understanding.
"""

import jax, jax.numpy as jnp
import numpy as np


def setup_inputs(seed: int = 0) -> dict:
    key = jax.random.key(seed)
    k1, k2, k3 = jax.random.split(key, 3)
    N, K = 100000, 16
    coordinates = jax.random.normal(k1, (N, 3), dtype=jnp.float32)
    u = jax.random.normal(k2, (N, 1), dtype=jnp.float32)
    connectivity_tensor = jax.random.randint(k3, (N, K, 2), 0, N)
    return {"coordinates": coordinates, "u": u, "connectivity_tensor": connectivity_tensor}


def reference(coordinates, u, connectivity_tensor):
    # dim=3, order=1 branch of GradientsLeastSquares.forward
    i0 = connectivity_tensor[:, :, 0]
    i1 = connectivity_tensor[:, :, 1]
    p1 = jnp.take(coordinates, i0, axis=0)
    p2 = jnp.take(coordinates, i1, axis=0)
    dx = p1[:, :, 0] - p2[:, :, 0]
    dy = p1[:, :, 1] - p2[:, :, 1]
    dz = p1[:, :, 2] - p2[:, :, 2]
    f1 = jnp.take(u, i0, axis=0)
    f2 = jnp.take(u, i1, axis=0)
    du = jnp.squeeze(f1 - f2, axis=-1)
    w = 1.0 / jnp.sqrt(dx ** 2 + dy ** 2 + dz ** 2)
    w = jnp.where(jnp.isinf(w), jnp.array(1.0, dtype=w.dtype), w)
    mask = jnp.ones_like(dx)
    w2 = w ** 2
    a1 = jnp.sum(w2 * dx * dx * mask, axis=1)
    b1 = jnp.sum(w2 * dx * dy * mask, axis=1)
    c1 = jnp.sum(w2 * dx * dz * mask, axis=1)
    d1 = jnp.sum(w2 * du * dx * mask, axis=1)
    a2 = jnp.sum(w2 * dx * dy * mask, axis=1)
    b2 = jnp.sum(w2 * dy * dy * mask, axis=1)
    c2 = jnp.sum(w2 * dy * dz * mask, axis=1)
    d2 = jnp.sum(w2 * du * dy * mask, axis=1)
    a3 = jnp.sum(w2 * dx * dz * mask, axis=1)
    b3 = jnp.sum(w2 * dy * dz * mask, axis=1)
    c3 = jnp.sum(w2 * dz * dz * mask, axis=1)
    d3 = jnp.sum(w2 * du * dz * mask, axis=1)
    detA = jnp.linalg.det(jnp.stack([
        jnp.stack([a1, a2, a3], axis=1),
        jnp.stack([b1, b2, b3], axis=1),
        jnp.stack([c1, c2, c3], axis=1)], axis=2))
    dudx = jnp.linalg.det(jnp.stack([
        jnp.stack([d1, d2, d3], axis=1),
        jnp.stack([b1, b2, b3], axis=1),
        jnp.stack([c1, c2, c3], axis=1)], axis=2)) / detA
    dudy = jnp.linalg.det(jnp.stack([
        jnp.stack([a1, a2, a3], axis=1),
        jnp.stack([d1, d2, d3], axis=1),
        jnp.stack([c1, c2, c3], axis=1)], axis=2)) / detA
    dudz = jnp.linalg.det(jnp.stack([
        jnp.stack([a1, a2, a3], axis=1),
        jnp.stack([b1, b2, b3], axis=1),
        jnp.stack([d1, d2, d3], axis=1)], axis=2)) / detA
    return (dudx[:, None], dudy[:, None], dudz[:, None])

if __name__ == "__main__":
    import jax
    _d = setup_inputs()
    print(jax.jit(kernel)(*tuple(_d.values())))

</pallas_src>

<mosaic_0001>
#map = affine_map<(d0, d1) -> (0, 0)>
#map1 = affine_map<(d0, d1) -> (0)>
module attributes {stable_mosaic.version = 14 : i64} {
  func.func @_sc_body(%arg0: i32, %arg1: i32, %arg2: memref<100352x4xf32, #tpu.memory_space<hbm>>, %arg3: memref<12800x256xi32, #tpu.memory_space<hbm>>, %arg4: memref<102400xf32, #tpu.memory_space<hbm>>, %arg5: memref<102400xf32, #tpu.memory_space<hbm>>, %arg6: memref<102400xf32, #tpu.memory_space<hbm>>, %arg7: memref<100352x4xf32, #tpu.memory_space<vmem_shared>>, %arg8: memref<16x256xi32, #tpu.memory_space<vmem>>, %arg9: memref<4096x4xf32, #tpu.memory_space<vmem>>, %arg10: memref<128xf32, #tpu.memory_space<vmem>>, %arg11: memref<128xf32, #tpu.memory_space<vmem>>, %arg12: memref<128xf32, #tpu.memory_space<vmem>>, %arg13: memref<!tpu.dma_semaphore, #tpu.memory_space<semaphore_mem>>) attributes {dimension_semantics = [#tpu.dimension_semantics<core_parallel>, #tpu.dimension_semantics<subcore_parallel>], iteration_bounds = array<i64: 2, 16>, scalar_prefetch = 0 : i64, scratch_operands = 7 : i64, tpu.core_type = #tpu.core_type<sc_vector_subcore>, window_params = [{transform_indices = #map}, {transform_indices = #map}, {transform_indices = #map1}, {transform_indices = #map1}, {transform_indices = #map1}]} {
    %mul3A = arith.constant 2 : i32
    %mul3A_0 = arith.muli %arg1, %mul3A : i32
    %add3A = arith.addi %mul3A_0, %arg0 : i32
    %iota3A = tpu.iota {dimensions = array<i32: 0>} : vector<16xi32>
    %mul3A_1 = arith.constant 32 : i32
    %mul3A_2 = vector.broadcast %mul3A_1 : i32 to vector<16xi32>
    %mul3A_3 = arith.muli %iota3A, %mul3A_2 : vector<16xi32>
    %broadcast_in_dim3A = arith.constant 0 : i32
    %broadcast_in_dim3A_4 = vector.broadcast %broadcast_in_dim3A : i32 to vector<16xi32>
    %broadcast_in_dim3A_5 = arith.constant 1 : i32
    %broadcast_in_dim3A_6 = vector.broadcast %broadcast_in_dim3A_5 : i32 to vector<16xi32>
    %broadcast_in_dim3A_7 = arith.constant 2 : i32
    %broadcast_in_dim3A_8 = vector.broadcast %broadcast_in_dim3A_7 : i32 to vector<16xi32>
    %broadcast_in_dim3A_9 = arith.constant 3 : i32
    %broadcast_in_dim3A_10 = vector.broadcast %broadcast_in_dim3A_9 : i32 to vector<16xi32>
    %mul3A_11 = arith.constant 6272 : i32
    %mul3A_12 = arith.muli %arg1, %mul3A_11 : i32
    "tpu.region"() ({
      %run_scoped3A = tpu.sem_alloc : memref<!tpu.dma_semaphore, #tpu.memory_space<semaphore_mem>>
      %dma_start3A = arith.constant 0 : i32
      %dma_start3A_18 = tpu.memref_slice %arg7[%mul3A_12, %dma_start3A] : memref<100352x4xf32, #tpu.memory_space<vmem_shared>> -> memref<6272x4xf32, #tpu.memory_space<vmem_shared>>
      %dma_start3A_19 = arith.constant 0 : i32
      %dma_start3A_20 = tpu.memref_slice %arg2[%mul3A_12, %dma_start3A_19] : memref<100352x4xf32, #tpu.memory_space<hbm>> -> memref<6272x4xf32, #tpu.memory_space<hbm>>
      tpu.enqueue_dma source(%dma_start3A_20 : memref<6272x4xf32, #tpu.memory_space<hbm>>) target(%dma_start3A_18 : memref<6272x4xf32, #tpu.memory_space<vmem_shared>>) target_semaphore(%run_scoped3A : memref<!tpu.dma_semaphore, #tpu.memory_space<semaphore_mem>>)
      %dma_wait3A = arith.constant 0 : i32
      %dma_wait3A_21 = tpu.memref_slice %arg7[%mul3A_12, %dma_wait3A] : memref<100352x4xf32, #tpu.memory_space<vmem_shared>> -> memref<6272x4xf32, #tpu.memory_space<vmem_shared>>
      %dma_wait3A_22 = arith.constant 0 : i32
      %dma_wait3A_23 = tpu.memref_slice %arg2[%mul3A_12, %dma_wait3A_22] : memref<100352x4xf32, #tpu.memory_space<hbm>> -> memref<6272x4xf32, #tpu.memory_space<hbm>>
      tpu.wait_dma2 semaphore(%run_scoped3A : memref<!tpu.dma_semaphore, #tpu.memory_space<semaphore_mem>>) src(%dma_wait3A_23 : memref<6272x4xf32, #tpu.memory_space<hbm>>) dst(%dma_wait3A_21 : memref<6272x4xf32, #tpu.memory_space<vmem_shared>>)
      tpu.yield
    }) : () -> ()
    %barrier3A = arith.constant 0 : index
    tpu.barrier barrier_id(%barrier3A)
    %scan3A = arith.constant 0 : i32
    %scan3A_13 = arith.constant 0 : i32
    %scan3A_14 = arith.constant 25 : i32
    %scan3A_15 = arith.addi %scan3A_13, %scan3A_14 : i32
    %scan3A_16 = arith.constant 1 : i32
    scf.for %scan3A_18 = %scan3A_13 to %scan3A_15 step %scan3A_16  : i32 {
      %mul3A_19 = arith.constant 25 : i32
      %mul3A_20 = arith.muli %add3A, %mul3A_19 : i32
      %add3A_21 = arith.addi %mul3A_20, %scan3A_18 : i32
      %mul3A_22 = arith.constant 16 : i32
      %mul3A_23 = arith.muli %add3A_21, %mul3A_22 : i32
      "tpu.region"() ({
        %run_scoped3A = tpu.sem_alloc : memref<!tpu.dma_semaphore, #tpu.memory_space<semaphore_mem>>
        %dma_start3A_353 = arith.constant 0 : i32
        %dma_start3A_354 = tpu.memref_slice %arg3[%mul3A_23, %dma_start3A_353] : memref<12800x256xi32, #tpu.memory_space<hbm>> -> memref<16x256xi32, #tpu.memory_space<hbm>>
        %dma_start3A_355 = arith.constant 0 : i32
        %dma_start3A_356 = tpu.memref_slice %arg3[%mul3A_23, %dma_start3A_355] : memref<12800x256xi32, #tpu.memory_space<hbm>> -> memref<16x256xi32, #tpu.memory_space<hbm>>
        tpu.enqueue_dma source(%dma_start3A_356 : memref<16x256xi32, #tpu.memory_space<hbm>>) target(%arg8 : memref<16x256xi32, #tpu.memory_space<vmem>>) target_semaphore(%run_scoped3A : memref<!tpu.dma_semaphore, #tpu.memory_space<semaphore_mem>>)
        %dma_wait3A_357 = arith.constant 0 : i32
        %dma_wait3A_358 = tpu.memref_slice %arg3[%mul3A_23, %dma_wait3A_357] : memref<12800x256xi32, #tpu.memory_space<hbm>> -> memref<16x256xi32, #tpu.memory_space<hbm>>
        %dma_wait3A_359 = arith.constant 0 : i32
        %dma_wait3A_360 = tpu.memref_slice %arg3[%mul3A_23, %dma_wait3A_359] : memref<12800x256xi32, #tpu.memory_space<hbm>> -> memref<16x256xi32, #tpu.memory_space<hbm>>
        tpu.wait_dma2 semaphore(%run_scoped3A : memref<!tpu.dma_semaphore, #tpu.memory_space<semaphore_mem>>) src(%dma_wait3A_360 : memref<16x256xi32, #tpu.memory_space<hbm>>) dst(%arg8 : memref<16x256xi32, #tpu.memory_space<vmem>>)
        tpu.yield
      }) : () -> ()
      %dma_start3A = arith.constant 0 : i32
      %dma_start3A_24 = arith.constant 0 : i32
      %dma_start3A_25 = arith.constant 0 : i32
      %dma_start3A_26 = tpu.memref_slice %arg9[%dma_start3A_24, %dma_start3A_25] : memref<4096x4xf32, #tpu.memory_space<vmem>> -> memref<256x4xf32, #tpu.memory_space<vmem>>
      %dma_start3A_27 = arith.constant 0 : i32
      %dma_start3A_28 = tpu.memref_slice %arg8[%dma_start3A, %dma_start3A_27] : memref<16x256xi32, #tpu.memory_space<vmem>> -> memref<1x256xi32, #tpu.memory_space<vmem>>
      %dma_start3A_29 = tpu.memref_squeeze %dma_start3A_28 : memref<1x256xi32, #tpu.memory_space<vmem>> -> memref<256xi32, #tpu.memory_space<vmem>>
      %dma_start3A_30 = arith.constant 0 : i32
      %dma_start3A_31 = arith.constant 0 : i32
      %dma_start3A_32 = tpu.memref_slice %arg7[%dma_start3A_30, %dma_start3A_31] : memref<100352x4xf32, #tpu.memory_space<vmem_shared>> -> memref<100352x4xf32, #tpu.memory_space<vmem_shared>>
      tpu.enqueue_indirect_dma source(%dma_start3A_32 : memref<100352x4xf32, #tpu.memory_space<vmem_shared>>) target(%dma_start3A_26 : memref<256x4xf32, #tpu.memory_space<vmem>>) offsets(%dma_start3A_29 : memref<256xi32, #tpu.memory_space<vmem>>) semaphore(%arg13 : memref<!tpu.dma_semaphore, #tpu.memory_space<semaphore_mem>>)
      %dma_start3A_33 = arith.constant 1 : i32
      %dma_start3A_34 = arith.constant 256 : i32
      %dma_start3A_35 = arith.constant 0 : i32
      %dma_start3A_36 = tpu.memref_slice %arg9[%dma_start3A_34, %dma_start3A_35] : memref<4096x4xf32, #tpu.memory_space<vmem>> -> memref<256x4xf32, #tpu.memory_space<vmem>>
      %dma_start3A_37 = arith.constant 0 : i32
      %dma_start3A_38 = tpu.memref_slice %arg8[%dma_start3A_33, %dma_start3A_37] : memref<16x256xi32, #tpu.memory_space<vmem>> -> memref<1x256xi32, #tpu.memory_space<vmem>>
      %dma_start3A_39 = tpu.memref_squeeze %dma_start3A_38 : memref<1x256xi32, #tpu.memory_space<vmem>> -> memref<256xi32, #tpu.memory_space<vmem>>
      %dma_start3A_40 = arith.constant 0 : i32
      %dma_start3A_41 = arith.constant 0 : i32
      %dma_start3A_42 = tpu.memref_slice %arg7[%dma_start3A_40, %dma_start3A_41] : memref<100352x4xf32, #tpu.memory_space<vmem_shared>> -> memref<100352x4xf32, #tpu.memory_space<vmem_shared>>
      tpu.enqueue_indirect_dma source(%dma_start3A_42 : memref<100352x4xf32, #tpu.memory_space<vmem_shared>>) target(%dma_start3A_36 : memref<256x4xf32, #tpu.memory_space<vmem>>) offsets(%dma_start3A_39 : memref<256xi32, #tpu.memory_space<vmem>>) semaphore(%arg13 : memref<!tpu.dma_semaphore, #tpu.memory_space<semaphore_mem>>)
      %dma_start3A_43 = arith.constant 2 : i32
      %dma_start3A_44 = arith.constant 512 : i32
      %dma_start3A_45 = arith.constant 0 : i32
      %dma_start3A_46 = tpu.memref_slice %arg9[%dma_start3A_44, %dma_start3A_45] : memref<4096x4xf32, #tpu.memory_space<vmem>> -> memref<256x4xf32, #tpu.memory_space<vmem>>
      %dma_start3A_47 = arith.constant 0 : i32
      %dma_start3A_48 = tpu.memref_slice %arg8[%dma_start3A_43, %dma_start3A_47] : memref<16x256xi32, #tpu.memory_space<vmem>> -> memref<1x256xi32, #tpu.memory_space<vmem>>
      %dma_start3A_49 = tpu.memref_squeeze %dma_start3A_48 : memref<1x256xi32, #tpu.memory_space<vmem>> -> memref<256xi32, #tpu.memory_space<vmem>>
      %dma_start3A_50 = arith.constant 0 : i32
      %dma_start3A_51 = arith.constant 0 : i32
      %dma_start3A_52 = tpu.memref_slice %arg7[%dma_start3A_50, %dma_start3A_51] : memref<100352x4xf32, #tpu.memory_space<vmem_shared>> -> memref<100352x4xf32, #tpu.memory_space<vmem_shared>>
      tpu.enqueue_indirect_dma source(%dma_start3A_52 : memref<100352x4xf32, #tpu.memory_space<vmem_shared>>) target(%dma_start3A_46 : memref<256x4xf32, #tpu.memory_space<vmem>>) offsets(%dma_start3A_49 : memref<256xi32, #tpu.memory_space<vmem>>) semaphore(%arg13 : memref<!tpu.dma_semaphore, #tpu.memory_space<semaphore_mem>>)
      %dma_start3A_53 = arith.constant 3 : i32
      %dma_start3A_54 = arith.constant 768 : i32
      %dma_start3A_55 = arith.constant 0 : i32
      %dma_start3A_56 = tpu.memref_slice %arg9[%dma_start3A_54, %dma_start3A_55] : memref<4096x4xf32, #tpu.memory_space<vmem>> -> memref<256x4xf32, #tpu.memory_space<vmem>>
      %dma_start3A_57 = arith.constant 0 : i32
      %dma_start3A_58 = tpu.memref_slice %arg8[%dma_start3A_53, %dma_start3A_57] : memref<16x256xi32, #tpu.memory_space<vmem>> -> memref<1x256xi32, #tpu.memory_space<vmem>>
      %dma_start3A_59 = tpu.memref_squeeze %dma_start3A_58 : memref<1x256xi32, #tpu.memory_space<vmem>> -> memref<256xi32, #tpu.memory_space<vmem>>
      %dma_start3A_60 = arith.constant 0 : i32
      %dma_start3A_61 = arith.constant 0 : i32
      %dma_start3A_62 = tpu.memref_slice %arg7[%dma_start3A_60, %dma_start3A_61] : memref<100352x4xf32, #tpu.memory_space<vmem_shared>> -> memref<100352x4xf32, #tpu.memory_space<vmem_shared>>
      tpu.enqueue_indirect_dma source(%dma_start3A_62 : memref<100352x4xf32, #tpu.memory_space<vmem_shared>>) target(%dma_start3A_56 : memref<256x4xf32, #tpu.memory_space<vmem>>) offsets(%dma_start3A_59 : memref<256xi32, #tpu.memory_space<vmem>>) semaphore(%arg13 : memref<!tpu.dma_semaphore, #tpu.memory_space<semaphore_mem>>)
      %dma_start3A_63 = arith.constant 4 : i32
      %dma_start3A_64 = arith.constant 1024 : i32
      %dma_start3A_65 = arith.constant 0 : i32
      %dma_start3A_66 = tpu.memref_slice %arg9[%dma_start3A_64, %dma_start3A_65] : memref<4096x4xf32, #tpu.memory_space<vmem>> -> memref<256x4xf32, #tpu.memory_space<vmem>>
      %dma_start3A_67 = arith.constant 0 : i32
      %dma_start3A_68 = tpu.memref_slice %arg8[%dma_start3A_63, %dma_start3A_67] : memref<16x256xi32, #tpu.memory_space<vmem>> -> memref<1x256xi32, #tpu.memory_space<vmem>>
      %dma_start3A_69 = tpu.memref_squeeze %dma_start3A_68 : memref<1x256xi32, #tpu.memory_space<vmem>> -> memref<256xi32, #tpu.memory_space<vmem>>
      %dma_start3A_70 = arith.constant 0 : i32
      %dma_start3A_71 = arith.constant 0 : i32
      %dma_start3A_72 = tpu.memref_slice %arg7[%dma_start3A_70, %dma_start3A_71] : memref<100352x4xf32, #tpu.memory_space<vmem_shared>> -> memref<100352x4xf32, #tpu.memory_space<vmem_shared>>
      tpu.enqueue_indirect_dma source(%dma_start3A_72 : memref<100352x4xf32, #tpu.memory_space<vmem_shared>>) target(%dma_start3A_66 : memref<256x4xf32, #tpu.memory_space<vmem>>) offsets(%dma_start3A_69 : memref<256xi32, #tpu.memory_space<vmem>>) semaphore(%arg13 : memref<!tpu.dma_semaphore, #tpu.memory_space<semaphore_mem>>)
      %dma_start3A_73 = arith.constant 5 : i32
      %dma_start3A_74 = arith.constant 1280 : i32
      %dma_start3A_75 = arith.constant 0 : i32
      %dma_start3A_76 = tpu.memref_slice %arg9[%dma_start3A_74, %dma_start3A_75] : memref<4096x4xf32, #tpu.memory_space<vmem>> -> memref<256x4xf32, #tpu.memory_space<vmem>>
      %dma_start3A_77 = arith.constant 0 : i32
      %dma_start3A_78 = tpu.memref_slice %arg8[%dma_start3A_73, %dma_start3A_77] : memref<16x256xi32, #tpu.memory_space<vmem>> -> memref<1x256xi32, #tpu.memory_space<vmem>>
      %dma_start3A_79 = tpu.memref_squeeze %dma_start3A_78 : memref<1x256xi32, #tpu.memory_space<vmem>> -> memref<256xi32, #tpu.memory_space<vmem>>
      %dma_start3A_80 = arith.constant 0 : i32
      %dma_start3A_81 = arith.constant 0 : i32
      %dma_start3A_82 = tpu.memref_slice %arg7[%dma_start3A_80, %dma_start3A_81] : memref<100352x4xf32, #tpu.memory_space<vmem_shared>> -> memref<100352x4xf32, #tpu.memory_space<vmem_shared>>
      tpu.enqueue_indirect_dma source(%dma_start3A_82 : memref<100352x4xf32, #tpu.memory_space<vmem_shared>>) target(%dma_start3A_76 : memref<256x4xf32, #tpu.memory_space<vmem>>) offsets(%dma_start3A_79 : memref<256xi32, #tpu.memory_space<vmem>>) semaphore(%arg13 : memref<!tpu.dma_semaphore, #tpu.memory_space<semaphore_mem>>)
      %dma_start3A_83 = arith.constant 6 : i32
      %dma_start3A_84 = arith.constant 1536 : i32
      %dma_start3A_85 = arith.constant 0 : i32
      %dma_start3A_86 = tpu.memref_slice %arg9[%dma_start3A_84, %dma_start3A_85] : memref<4096x4xf32, #tpu.memory_space<vmem>> -> memref<256x4xf32, #tpu.memory_space<vmem>>
      %dma_start3A_87 = arith.constant 0 : i32
      %dma_start3A_88 = tpu.memref_slice %arg8[%dma_start3A_83, %dma_start3A_87] : memref<16x256xi32, #tpu.memory_space<vmem>> -> memref<1x256xi32, #tpu.memory_space<vmem>>
      %dma_start3A_89 = tpu.memref_squeeze %dma_start3A_88 : memref<1x256xi32, #tpu.memory_space<vmem>> -> memref<256xi32, #tpu.memory_space<vmem>>
      %dma_start3A_90 = arith.constant 0 : i32
      %dma_start3A_91 = arith.constant 0 : i32
      %dma_start3A_92 = tpu.memref_slice %arg7[%dma_start3A_90, %dma_start3A_91] : memref<100352x4xf32, #tpu.memory_space<vmem_shared>> -> memref<100352x4xf32, #tpu.memory_space<vmem_shared>>
      tpu.enqueue_indirect_dma source(%dma_start3A_92 : memref<100352x4xf32, #tpu.memory_space<vmem_shared>>) target(%dma_start3A_86 : memref<256x4xf32, #tpu.memory_space<vmem>>) offsets(%dma_start3A_89 : memref<256xi32, #tpu.memory_space<vmem>>) semaphore(%arg13 : memref<!tpu.dma_semaphore, #tpu.memory_space<semaphore_mem>>)
      %dma_start3A_93 = arith.constant 7 : i32
      %dma_start3A_94 = arith.constant 1792 : i32
      %dma_start3A_95 = arith.constant 0 : i32
      %dma_start3A_96 = tpu.memref_slice %arg9[%dma_start3A_94, %dma_start3A_95] : memref<4096x4xf32, #tpu.memory_space<vmem>> -> memref<256x4xf32, #tpu.memory_space<vmem>>
      %dma_start3A_97 = arith.constant 0 : i32
      %dma_start3A_98 = tpu.memref_slice %arg8[%dma_start3A_93, %dma_start3A_97] : memref<16x256xi32, #tpu.memory_space<vmem>> -> memref<1x256xi32, #tpu.memory_space<vmem>>
      %dma_start3A_99 = tpu.memref_squeeze %dma_start3A_98 : memref<1x256xi32, #tpu.memory_space<vmem>> -> memref<256xi32, #tpu.memory_space<vmem>>
      %dma_start3A_100 = arith.constant 0 : i32
      %dma_start3A_101 = arith.constant 0 : i32
      %dma_start3A_102 = tpu.memref_slice %arg7[%dma_start3A_100, %dma_start3A_101] : memref<100352x4xf32, #tpu.memory_space<vmem_shared>> -> memref<100352x4xf32, #tpu.memory_space<vmem_shared>>
      tpu.enqueue_indirect_dma source(%dma_start3A_102 : memref<100352x4xf32, #tpu.memory_space<vmem_shared>>) target(%dma_start3A_96 : memref<256x4xf32, #tpu.memory_space<vmem>>) offsets(%dma_start3A_99 : memref<256xi32, #tpu.memory_space<vmem>>) semaphore(%arg13 : memref<!tpu.dma_semaphore, #tpu.memory_space<semaphore_mem>>)
      %dma_start3A_103 = arith.constant 8 : i32
      %dma_start3A_104 = arith.constant 2048 : i32
      %dma_start3A_105 = arith.constant 0 : i32
      %dma_start3A_106 = tpu.memref_slice %arg9[%dma_start3A_104, %dma_start3A_105] : memref<4096x4xf32, #tpu.memory_space<vmem>> -> memref<256x4xf32, #tpu.memory_space<vmem>>
      %dma_start3A_107 = arith.constant 0 : i32
      %dma_start3A_108 = tpu.memref_slice %arg8[%dma_start3A_103, %dma_start3A_107] : memref<16x256xi32, #tpu.memory_space<vmem>> -> memref<1x256xi32, #tpu.memory_space<vmem>>
      %dma_start3A_109 = tpu.memref_squeeze %dma_start3A_108 : memref<1x256xi32, #tpu.memory_space<vmem>> -> memref<256xi32, #tpu.memory_space<vmem>>
      %dma_start3A_110 = arith.constant 0 : i32
      %dma_start3A_111 = arith.constant 0 : i32
      %dma_start3A_112 = tpu.memref_slice %arg7[%dma_start3A_110, %dma_start3A_111] : memref<100352x4xf32, #tpu.memory_space<vmem_shared>> -> memref<100352x4xf32, #tpu.memory_space<vmem_shared>>
      tpu.enqueue_indirect_dma source(%dma_start3A_112 : memref<100352x4xf32, #tpu.memory_space<vmem_shared>>) target(%dma_start3A_106 : memref<256x4xf32, #tpu.memory_space<vmem>>) offsets(%dma_start3A_109 : memref<256xi32, #tpu.memory_space<vmem>>) semaphore(%arg13 : memref<!tpu.dma_semaphore, #tpu.memory_space<semaphore_mem>>)
      %dma_start3A_113 = arith.constant 9 : i32
      %dma_start3A_114 = arith.constant 2304 : i32
      %dma_start3A_115 = arith.constant 0 : i32
      %dma_start3A_116 = tpu.memref_slice %arg9[%dma_start3A_114, %dma_start3A_115] : memref<4096x4xf32, #tpu.memory_space<vmem>> -> memref<256x4xf32, #tpu.memory_space<vmem>>
      %dma_start3A_117 = arith.constant 0 : i32
      %dma_start3A_118 = tpu.memref_slice %arg8[%dma_start3A_113, %dma_start3A_117] : memref<16x256xi32, #tpu.memory_space<vmem>> -> memref<1x256xi32, #tpu.memory_space<vmem>>
      %dma_start3A_119 = tpu.memref_squeeze %dma_start3A_118 : memref<1x256xi32, #tpu.memory_space<vmem>> -> memref<256xi32, #tpu.memory_space<vmem>>
      %dma_start3A_120 = arith.constant 0 : i32
      %dma_start3A_121 = arith.constant 0 : i32
      %dma_start3A_122 = tpu.memref_slice %arg7[%dma_start3A_120, %dma_start3A_121] : memref<100352x4xf32, #tpu.memory_space<vmem_shared>> -> memref<100352x4xf32, #tpu.memory_space<vmem_shared>>
      tpu.enqueue_indirect_dma source(%dma_start3A_122 : memref<100352x4xf32, #tpu.memory_space<vmem_shared>>) target(%dma_start3A_116 : memref<256x4xf32, #tpu.memory_space<vmem>>) offsets(%dma_start3A_119 : memref<256xi32, #tpu.memory_space<vmem>>) semaphore(%arg13 : memref<!tpu.dma_semaphore, #tpu.memory_space<semaphore_mem>>)
      %dma_start3A_123 = arith.constant 10 : i32
      %dma_start3A_124 = arith.constant 2560 : i32
      %dma_start3A_125 = arith.constant 0 : i32
      %dma_start3A_126 = tpu.memref_slice %arg9[%dma_start3A_124, %dma_start3A_125] : memref<4096x4xf32, #tpu.memory_space<vmem>> -> memref<256x4xf32, #tpu.memory_space<vmem>>
      %dma_start3A_127 = arith.constant 0 : i32
      %dma_start3A_128 = tpu.memref_slice %arg8[%dma_start3A_123, %dma_start3A_127] : memref<16x256xi32, #tpu.memory_space<vmem>> -> memref<1x256xi32, #tpu.memory_space<vmem>>
      %dma_start3A_129 = tpu.memref_squeeze %dma_start3A_128 : memref<1x256xi32, #tpu.memory_space<vmem>> -> memref<256xi32, #tpu.memory_space<vmem>>
      %dma_start3A_130 = arith.constant 0 : i32
      %dma_start3A_131 = arith.constant 0 : i32
      %dma_start3A_132 = tpu.memref_slice %arg7[%dma_start3A_130, %dma_start3A_131] : memref<100352x4xf32, #tpu.memory_space<vmem_shared>> -> memref<100352x4xf32, #tpu.memory_space<vmem_shared>>
      tpu.enqueue_indirect_dma source(%dma_start3A_132 : memref<100352x4xf32, #tpu.memory_space<vmem_shared>>) target(%dma_start3A_126 : memref<256x4xf32, #tpu.memory_space<vmem>>) offsets(%dma_start3A_129 : memref<256xi32, #tpu.memory_space<vmem>>) semaphore(%arg13 : memref<!tpu.dma_semaphore, #tpu.memory_space<semaphore_mem>>)
      %dma_start3A_133 = arith.constant 11 : i32
      %dma_start3A_134 = arith.constant 2816 : i32
      %dma_start3A_135 = arith.constant 0 : i32
      %dma_start3A_136 = tpu.memref_slice %arg9[%dma_start3A_134, %dma_start3A_135] : memref<4096x4xf32, #tpu.memory_space<vmem>> -> memref<256x4xf32, #tpu.memory_space<vmem>>
      %dma_start3A_137 = arith.constant 0 : i32
      %dma_start3A_138 = tpu.memref_slice %arg8[%dma_start3A_133, %dma_start3A_137] : memref<16x256xi32, #tpu.memory_space<vmem>> -> memref<1x256xi32, #tpu.memory_space<vmem>>
      %dma_start3A_139 = tpu.memref_squeeze %dma_start3A_138 : memref<1x256xi32, #tpu.memory_space<vmem>> -> memref<256xi32, #tpu.memory_space<vmem>>
      %dma_start3A_140 = arith.constant 0 : i32
      %dma_start3A_141 = arith.constant 0 : i32
      %dma_start3A_142 = tpu.memref_slice %arg7[%dma_start3A_140, %dma_start3A_141] : memref<100352x4xf32, #tpu.memory_space<vmem_shared>> -> memref<100352x4xf32, #tpu.memory_space<vmem_shared>>
      tpu.enqueue_indirect_dma source(%dma_start3A_142 : memref<100352x4xf32, #tpu.memory_space<vmem_shared>>) target(%dma_start3A_136 : memref<256x4xf32, #tpu.memory_space<vmem>>) offsets(%dma_start3A_139 : memref<256xi32, #tpu.memory_space<vmem>>) semaphore(%arg13 : memref<!tpu.dma_semaphore, #tpu.memory_space<semaphore_mem>>)
      %dma_start3A_143 = arith.constant 12 : i32
      %dma_start3A_144 = arith.constant 3072 : i32
      %dma_start3A_145 = arith.constant 0 : i32
      %dma_start3A_146 = tpu.memref_slice %arg9[%dma_start3A_144, %dma_start3A_145] : memref<4096x4xf32, #tpu.memory_space<vmem>> -> memref<256x4xf32, #tpu.memory_space<vmem>>
      %dma_start3A_147 = arith.constant 0 : i32
      %dma_start3A_148 = tpu.memref_slice %arg8[%dma_start3A_143, %dma_start3A_147] : memref<16x256xi32, #tpu.memory_space<vmem>> -> memref<1x256xi32, #tpu.memory_space<vmem>>
      %dma_start3A_149 = tpu.memref_squeeze %dma_start3A_148 : memref<1x256xi32, #tpu.memory_space<vmem>> -> memref<256xi32, #tpu.memory_space<vmem>>
      %dma_start3A_150 = arith.constant 0 : i32
      %dma_start3A_151 = arith.constant 0 : i32
      %dma_start3A_152 = tpu.memref_slice %arg7[%dma_start3A_150, %dma_start3A_151] : memref<100352x4xf32, #tpu.memory_space<vmem_shared>> -> memref<100352x4xf32, #tpu.memory_space<vmem_shared>>
      tpu.enqueue_indirect_dma source(%dma_start3A_152 : memref<100352x4xf32, #tpu.memory_space<vmem_shared>>) target(%dma_start3A_146 : memref<256x4xf32, #tpu.memory_space<vmem>>) offsets(%dma_start3A_149 : memref<256xi32, #tpu.memory_space<vmem>>) semaphore(%arg13 : memref<!tpu.dma_semaphore, #tpu.memory_space<semaphore_mem>>)
      %dma_start3A_153 = arith.constant 13 : i32
      %dma_start3A_154 = arith.constant 3328 : i32
      %dma_start3A_155 = arith.constant 0 : i32
      %dma_start3A_156 = tpu.memref_slice %arg9[%dma_start3A_154, %dma_start3A_155] : memref<4096x4xf32, #tpu.memory_space<vmem>> -> memref<256x4xf32, #tpu.memory_space<vmem>>
      %dma_start3A_157 = arith.constant 0 : i32
      %dma_start3A_158 = tpu.memref_slice %arg8[%dma_start3A_153, %dma_start3A_157] : memref<16x256xi32, #tpu.memory_space<vmem>> -> memref<1x256xi32, #tpu.memory_space<vmem>>
      %dma_start3A_159 = tpu.memref_squeeze %dma_start3A_158 : memref<1x256xi32, #tpu.memory_space<vmem>> -> memref<256xi32, #tpu.memory_space<vmem>>
      %dma_start3A_160 = arith.constant 0 : i32
      %dma_start3A_161 = arith.constant 0 : i32
      %dma_start3A_162 = tpu.memref_slice %arg7[%dma_start3A_160, %dma_start3A_161] : memref<100352x4xf32, #tpu.memory_space<vmem_shared>> -> memref<100352x4xf32, #tpu.memory_space<vmem_shared>>
      tpu.enqueue_indirect_dma source(%dma_start3A_162 : memref<100352x4xf32, #tpu.memory_space<vmem_shared>>) target(%dma_start3A_156 : memref<256x4xf32, #tpu.memory_space<vmem>>) offsets(%dma_start3A_159 : memref<256xi32, #tpu.memory_space<vmem>>) semaphore(%arg13 : memref<!tpu.dma_semaphore, #tpu.memory_space<semaphore_mem>>)
      %dma_start3A_163 = arith.constant 14 : i32
      %dma_start3A_164 = arith.constant 3584 : i32
      %dma_start3A_165 = arith.constant 0 : i32
      %dma_start3A_166 = tpu.memref_slice %arg9[%dma_start3A_164, %dma_start3A_165] : memref<4096x4xf32, #tpu.memory_space<vmem>> -> memref<256x4xf32, #tpu.memory_space<vmem>>
      %dma_start3A_167 = arith.constant 0 : i32
      %dma_start3A_168 = tpu.memref_slice %arg8[%dma_start3A_163, %dma_start3A_167] : memref<16x256xi32, #tpu.memory_space<vmem>> -> memref<1x256xi32, #tpu.memory_space<vmem>>
      %dma_start3A_169 = tpu.memref_squeeze %dma_start3A_168 : memref<1x256xi32, #tpu.memory_space<vmem>> -> memref<256xi32, #tpu.memory_space<vmem>>
      %dma_start3A_170 = arith.constant 0 : i32
      %dma_start3A_171 = arith.constant 0 : i32
      %dma_start3A_172 = tpu.memref_slice %arg7[%dma_start3A_170, %dma_start3A_171] : memref<100352x4xf32, #tpu.memory_space<vmem_shared>> -> memref<100352x4xf32, #tpu.memory_space<vmem_shared>>
      tpu.enqueue_indirect_dma source(%dma_start3A_172 : memref<100352x4xf32, #tpu.memory_space<vmem_shared>>) target(%dma_start3A_166 : memref<256x4xf32, #tpu.memory_space<vmem>>) offsets(%dma_start3A_169 : memref<256xi32, #tpu.memory_space<vmem>>) semaphore(%arg13 : memref<!tpu.dma_semaphore, #tpu.memory_space<semaphore_mem>>)
      %dma_start3A_173 = arith.constant 15 : i32
      %dma_start3A_174 = arith.constant 3840 : i32
      %dma_start3A_175 = arith.constant 0 : i32
      %dma_start3A_176 = tpu.memref_slice %arg9[%dma_start3A_174, %dma_start3A_175] : memref<4096x4xf32, #tpu.memory_space<vmem>> -> memref<256x4xf32, #tpu.memory_space<vmem>>
      %dma_start3A_177 = arith.constant 0 : i32
      %dma_start3A_178 = tpu.memref_slice %arg8[%dma_start3A_173, %dma_start3A_177] : memref<16x256xi32, #tpu.memory_space<vmem>> -> memref<1x256xi32, #tpu.memory_space<vmem>>
      %dma_start3A_179 = tpu.memref_squeeze %dma_start3A_178 : memref<1x256xi32, #tpu.memory_space<vmem>> -> memref<256xi32, #tpu.memory_space<vmem>>
      %dma_start3A_180 = arith.constant 0 : i32
      %dma_start3A_181 = arith.constant 0 : i32
      %dma_start3A_182 = tpu.memref_slice %arg7[%dma_start3A_180, %dma_start3A_181] : memref<100352x4xf32, #tpu.memory_space<vmem_shared>> -> memref<100352x4xf32, #tpu.memory_space<vmem_shared>>
      tpu.enqueue_indirect_dma source(%dma_start3A_182 : memref<100352x4xf32, #tpu.memory_space<vmem_shared>>) target(%dma_start3A_176 : memref<256x4xf32, #tpu.memory_space<vmem>>) offsets(%dma_start3A_179 : memref<256xi32, #tpu.memory_space<vmem>>) semaphore(%arg13 : memref<!tpu.dma_semaphore, #tpu.memory_space<semaphore_mem>>)
      %dma_wait3A = arith.constant 0 : i32
      %dma_wait3A_183 = arith.constant 0 : i32
      %dma_wait3A_184 = arith.constant 0 : i32
      %dma_wait3A_185 = tpu.memref_slice %arg9[%dma_wait3A_183, %dma_wait3A_184] : memref<4096x4xf32, #tpu.memory_space<vmem>> -> memref<256x4xf32, #tpu.memory_space<vmem>>
      %dma_wait3A_186 = arith.constant 0 : i32
      %dma_wait3A_187 = tpu.memref_slice %arg8[%dma_wait3A, %dma_wait3A_186] : memref<16x256xi32, #tpu.memory_space<vmem>> -> memref<1x256xi32, #tpu.memory_space<vmem>>
      %dma_wait3A_188 = tpu.memref_squeeze %dma_wait3A_187 : memref<1x256xi32, #tpu.memory_space<vmem>> -> memref<256xi32, #tpu.memory_space<vmem>>
      %dma_wait3A_189 = arith.constant 0 : i32
      %dma_wait3A_190 = arith.constant 0 : i32
      %dma_wait3A_191 = tpu.memref_slice %arg7[%dma_wait3A_189, %dma_wait3A_190] : memref<100352x4xf32, #tpu.memory_space<vmem_shared>> -> memref<100352x4xf32, #tpu.memory_space<vmem_shared>>
      tpu.wait_indirect_dma semaphore(%arg13 : memref<!tpu.dma_semaphore, #tpu.memory_space<semaphore_mem>>) src(%dma_wait3A_191 : memref<100352x4xf32, #tpu.memory_space<vmem_shared>>) dst(%dma_wait3A_185 : memref<256x4xf32, #tpu.memory_space<vmem>>)
      %dma_wait3A_192 = arith.constant 1 : i32
      %dma_wait3A_193 = arith.constant 256 : i32
      %dma_wait3A_194 = arith.constant 0 : i32
      %dma_wait3A_195 = tpu.memref_slice %arg9[%dma_wait3A_193, %dma_wait3A_194] : memref<4096x4xf32, #tpu.memory_space<vmem>> -> memref<256x4xf32, #tpu.memory_space<vmem>>
      %dma_wait3A_196 = arith.constant 0 : i32
      %dma_wait3A_197 = tpu.memref_slice %arg8[%dma_wait3A_192, %dma_wait3A_196] : memref<16x256xi32, #tpu.memory_space<vmem>> -> memref<1x256xi32, #tpu.memory_space<vmem>>
      %dma_wait3A_198 = tpu.memref_squeeze %dma_wait3A_197 : memref<1x256xi32, #tpu.memory_space<vmem>> -> memref<256xi32, #tpu.memory_space<vmem>>
      %dma_wait3A_199 = arith.constant 0 : i32
      %dma_wait3A_200 = arith.constant 0 : i32
      %dma_wait3A_201 = tpu.memref_slice %arg7[%dma_wait3A_199, %dma_wait3A_200] : memref<100352x4xf32, #tpu.memory_space<vmem_shared>> -> memref<100352x4xf32, #tpu.memory_space<vmem_shared>>
      tpu.wait_indirect_dma semaphore(%arg13 : memref<!tpu.dma_semaphore, #tpu.memory_space<semaphore_mem>>) src(%dma_wait3A_201 : memref<100352x4xf32, #tpu.memory_space<vmem_shared>>) dst(%dma_wait3A_195 : memref<256x4xf32, #tpu.memory_space<vmem>>)
      %dma_wait3A_202 = arith.constant 2 : i32
      %dma_wait3A_203 = arith.constant 512 : i32
      %dma_wait3A_204 = arith.constant 0 : i32
      %dma_wait3A_205 = tpu.memref_slice %arg9[%dma_wait3A_203, %dma_wait3A_204] : memref<4096x4xf32, #tpu.memory_space<vmem>> -> memref<256x4xf32, #tpu.memory_space<vmem>>
      %dma_wait3A_206 = arith.constant 0 : i32
      %dma_wait3A_207 = tpu.memref_slice %arg8[%dma_wait3A_202, %dma_wait3A_206] : memref<16x256xi32, #tpu.memory_space<vmem>> -> memref<1x256xi32, #tpu.memory_space<vmem>>
      %dma_wait3A_208 = tpu.memref_squeeze %dma_wait3A_207 : memref<1x256xi32, #tpu.memory_space<vmem>> -> memref<256xi32, #tpu.memory_space<vmem>>
      %dma_wait3A_209 = arith.constant 0 : i32
      %dma_wait3A_210 = arith.constant 0 : i32
      %dma_wait3A_211 = tpu.memref_slice %arg7[%dma_wait3A_209, %dma_wait3A_210] : memref<100352x4xf32, #tpu.memory_space<vmem_shared>> -> memref<100352x4xf32, #tpu.memory_space<vmem_shared>>
      tpu.wait_indirect_dma semaphore(%arg13 : memref<!tpu.dma_semaphore, #tpu.memory_space<semaphore_mem>>) src(%dma_wait3A_211 : memref<100352x4xf32, #tpu.memory_space<vmem_shared>>) dst(%dma_wait3A_205 : memref<256x4xf32, #tpu.memory_space<vmem>>)
      %dma_wait3A_212 = arith.constant 3 : i32
      %dma_wait3A_213 = arith.constant 768 : i32
      %dma_wait3A_214 = arith.constant 0 : i32
      %dma_wait3A_215 = tpu.memref_slice %arg9[%dma_wait3A_213, %dma_wait3A_214] : memref<4096x4xf32, #tpu.memory_space<vmem>> -> memref<256x4xf32, #tpu.memory_space<vmem>>
      %dma_wait3A_216 = arith.constant 0 : i32
      %dma_wait3A_217 = tpu.memref_slice %arg8[%dma_wait3A_212, %dma_wait3A_216] : memref<16x256xi32, #tpu.memory_space<vmem>> -> memref<1x256xi32, #tpu.memory_space<vmem>>
      %dma_wait3A_218 = tpu.memref_squeeze %dma_wait3A_217 : memref<1x256xi32, #tpu.memory_space<vmem>> -> memref<256xi32, #tpu.memory_space<vmem>>
      %dma_wait3A_219 = arith.constant 0 : i32
      %dma_wait3A_220 = arith.constant 0 : i32
      %dma_wait3A_221 = tpu.memref_slice %arg7[%dma_wait3A_219, %dma_wait3A_220] : memref<100352x4xf32, #tpu.memory_space<vmem_shared>> -> memref<100352x4xf32, #tpu.memory_space<vmem_shared>>
      tpu.wait_indirect_dma semaphore(%arg13 : memref<!tpu.dma_semaphore, #tpu.memory_space<semaphore_mem>>) src(%dma_wait3A_221 : memref<100352x4xf32, #tpu.memory_space<vmem_shared>>) dst(%dma_wait3A_215 : memref<256x4xf32, #tpu.memory_space<vmem>>)
      %dma_wait3A_222 = arith.constant 4 : i32
      %dma_wait3A_223 = arith.constant 1024 : i32
      %dma_wait3A_224 = arith.constant 0 : i32
      %dma_wait3A_225 = tpu.memref_slice %arg9[%dma_wait3A_223, %dma_wait3A_224] : memref<4096x4xf32, #tpu.memory_space<vmem>> -> memref<256x4xf32, #tpu.memory_space<vmem>>
      %dma_wait3A_226 = arith.constant 0 : i32
      %dma_wait3A_227 = tpu.memref_slice %arg8[%dma_wait3A_222, %dma_wait3A_226] : memref<16x256xi32, #tpu.memory_space<vmem>> -> memref<1x256xi32, #tpu.memory_space<vmem>>
      %dma_wait3A_228 = tpu.memref_squeeze %dma_wait3A_227 : memref<1x256xi32, #tpu.memory_space<vmem>> -> memref<256xi32, #tpu.memory_space<vmem>>
      %dma_wait3A_229 = arith.constant 0 : i32
      %dma_wait3A_230 = arith.constant 0 : i32
      %dma_wait3A_231 = tpu.memref_slice %arg7[%dma_wait3A_229, %dma_wait3A_230] : memref<100352x4xf32, #tpu.memory_space<vmem_shared>> -> memref<100352x4xf32, #tpu.memory_space<vmem_shared>>
      tpu.wait_indirect_dma semaphore(%arg13 : memref<!tpu.dma_semaphore, #tpu.memory_space<semaphore_mem>>) src(%dma_wait3A_231 : memref<100352x4xf32, #tpu.memory_space<vmem_shared>>) dst(%dma_wait3A_225 : memref<256x4xf32, #tpu.memory_space<vmem>>)
      %dma_wait3A_232 = arith.constant 5 : i32
      %dma_wait3A_233 = arith.constant 1280 : i32
      %dma_wait3A_234 = arith.constant 0 : i32
      %dma_wait3A_235 = tpu.memref_slice %arg9[%dma_wait3A_233, %dma_wait3A_234] : memref<4096x4xf32, #tpu.memory_space<vmem>> -> memref<256x4xf32, #tpu.memory_space<vmem>>
      %dma_wait3A_236 = arith.constant 0 : i32
      %dma_wait3A_237 = tpu.memref_slice %arg8[%dma_wait3A_232, %dma_wait3A_236] : memref<16x256xi32, #tpu.memory_space<vmem>> -> memref<1x256xi32, #tpu.memory_space<vmem>>
      %dma_wait3A_238 = tpu.memref_squeeze %dma_wait3A_237 : memref<1x256xi32, #tpu.memory_space<vmem>> -> memref<256xi32, #tpu.memory_space<vmem>>
      %dma_wait3A_239 = arith.constant 0 : i32
      %dma_wait3A_240 = arith.constant 0 : i32
      %dma_wait3A_241 = tpu.memref_slice %arg7[%dma_wait3A_239, %dma_wait3A_240] : memref<100352x4xf32, #tpu.memory_space<vmem_shared>> -> memref<100352x4xf32, #tpu.memory_space<vmem_shared>>
      tpu.wait_indirect_dma semaphore(%arg13 : memref<!tpu.dma_semaphore, #tpu.memory_space<semaphore_mem>>) src(%dma_wait3A_241 : memref<100352x4xf32, #tpu.memory_space<vmem_shared>>) dst(%dma_wait3A_235 : memref<256x4xf32, #tpu.memory_space<vmem>>)
      %dma_wait3A_242 = arith.constant 6 : i32
      %dma_wait3A_243 = arith.constant 1536 : i32
      %dma_wait3A_244 = arith.constant 0 : i32
      %dma_wait3A_245 = tpu.memref_slice %arg9[%dma_wait3A_243, %dma_wait3A_244] : memref<4096x4xf32, #tpu.memory_space<vmem>> -> memref<256x4xf32, #tpu.memory_space<vmem>>
      %dma_wait3A_246 = arith.constant 0 : i32
      %dma_wait3A_247 = tpu.memref_slice %arg8[%dma_wait3A_242, %dma_wait3A_246] : memref<16x256xi32, #tpu.memory_space<vmem>> -> memref<1x256xi32, #tpu.memory_space<vmem>>
      %dma_wait3A_248 = tpu.memref_squeeze %dma_wait3A_247 : memref<1x256xi32, #tpu.memory_space<vmem>> -> memref<256xi32, #tpu.memory_space<vmem>>
      %dma_wait3A_249 = arith.constant 0 : i32
      %dma_wait3A_250 = arith.constant 0 : i32
      %dma_wait3A_251 = tpu.memref_slice %arg7[%dma_wait3A_249, %dma_wait3A_250] : memref<100352x4xf32, #tpu.memory_space<vmem_shared>> -> memref<100352x4xf32, #tpu.memory_space<vmem_shared>>
      tpu.wait_indirect_dma semaphore(%arg13 : memref<!tpu.dma_semaphore, #tpu.memory_space<semaphore_mem>>) src(%dma_wait3A_251 : memref<100352x4xf32, #tpu.memory_space<vmem_shared>>) dst(%dma_wait3A_245 : memref<256x4xf32, #tpu.memory_space<vmem>>)
      %dma_wait3A_252 = arith.constant 7 : i32
      %dma_wait3A_253 = arith.constant 1792 : i32
      %dma_wait3A_254 = arith.constant 0 : i32
      %dma_wait3A_255 = tpu.memref_slice %arg9[%dma_wait3A_253, %dma_wait3A_254] : memref<4096x4xf32, #tpu.memory_space<vmem>> -> memref<256x4xf32, #tpu.memory_space<vmem>>
      %dma_wait3A_256 = arith.constant 0 : i32
      %dma_wait3A_257 = tpu.memref_slice %arg8[%dma_wait3A_252, %dma_wait3A_256] : memref<16x256xi32, #tpu.memory_space<vmem>> -> memref<1x256xi32, #tpu.memory_space<vmem>>
      %dma_wait3A_258 = tpu.memref_squeeze %dma_wait3A_257 : memref<1x256xi32, #tpu.memory_space<vmem>> -> memref<256xi32, #tpu.memory_space<vmem>>
      %dma_wait3A_259 = arith.constant 0 : i32
      %dma_wait3A_260 = arith.constant 0 : i32
      %dma_wait3A_261 = tpu.memref_slice %arg7[%dma_wait3A_259, %dma_wait3A_260] : memref<100352x4xf32, #tpu.memory_space<vmem_shared>> -> memref<100352x4xf32, #tpu.memory_space<vmem_shared>>
      tpu.wait_indirect_dma semaphore(%arg13 : memref<!tpu.dma_semaphore, #tpu.memory_space<semaphore_mem>>) src(%dma_wait3A_261 : memref<100352x4xf32, #tpu.memory_space<vmem_shared>>) dst(%dma_wait3A_255 : memref<256x4xf32, #tpu.memory_space<vmem>>)
      %dma_wait3A_262 = arith.constant 8 : i32
      %dma_wait3A_263 = arith.constant 2048 : i32
      %dma_wait3A_264 = arith.constant 0 : i32
      %dma_wait3A_265 = tpu.memref_slice %arg9[%dma_wait3A_263, %dma_wait3A_264] : memref<4096x4xf32, #tpu.memory_space<vmem>> -> memref<256x4xf32, #tpu.memory_space<vmem>>
      %dma_wait3A_266 = arith.constant 0 : i32
      %dma_wait3A_267 = tpu.memref_slice %arg8[%dma_wait3A_262, %dma_wait3A_266] : memref<16x256xi32, #tpu.memory_space<vmem>> -> memref<1x256xi32, #tpu.memory_space<vmem>>
      %dma_wait3A_268 = tpu.memref_squeeze %dma_wait3A_267 : memref<1x256xi32, #tpu.memory_space<vmem>> -> memref<256xi32, #tpu.memory_space<vmem>>
      %dma_wait3A_269 = arith.constant 0 : i32
      %dma_wait3A_270 = arith.constant 0 : i32
      %dma_wait3A_271 = tpu.memref_slice %arg7[%dma_wait3A_269, %dma_wait3A_270] : memref<100352x4xf32, #tpu.memory_space<vmem_shared>> -> memref<100352x4xf32, #tpu.memory_space<vmem_shared>>
      tpu.wait_indirect_dma semaphore(%arg13 : memref<!tpu.dma_semaphore, #tpu.memory_space<semaphore_mem>>) src(%dma_wait3A_271 : memref<100352x4xf32, #tpu.memory_space<vmem_shared>>) dst(%dma_wait3A_265 : memref<256x4xf32, #tpu.memory_space<vmem>>)
      %dma_wait3A_272 = arith.constant 9 : i32
      %dma_wait3A_273 = arith.constant 2304 : i32
      %dma_wait3A_274 = arith.constant 0 : i32
      %dma_wait3A_275 = tpu.memref_slice %arg9[%dma_wait3A_273, %dma_wait3A_274] : memref<4096x4xf32, #tpu.memory_space<vmem>> -> memref<256x4xf32, #tpu.memory_space<vmem>>
      %dma_wait3A_276 = arith.constant 0 : i32
      %dma_wait3A_277 = tpu.memref_slice %arg8[%dma_wait3A_272, %dma_wait3A_276] : memref<16x256xi32, #tpu.memory_space<vmem>> -> memref<1x256xi32, #tpu.memory_space<vmem>>
      %dma_wait3A_278 = tpu.memref_squeeze %dma_wait3A_277 : memref<1x256xi32, #tpu.memory_space<vmem>> -> memref<256xi32, #tpu.memory_space<vmem>>
      %dma_wait3A_279 = arith.constant 0 : i32
      %dma_wait3A_280 = arith.constant 0 : i32
      %dma_wait3A_281 = tpu.memref_slice %arg7[%dma_wait3A_279, %dma_wait3A_280] : memref<100352x4xf32, #tpu.memory_space<vmem_shared>> -> memref<100352x4xf32, #tpu.memory_space<vmem_shared>>
      tpu.wait_indirect_dma semaphore(%arg13 : memref<!tpu.dma_semaphore, #tpu.memory_space<semaphore_mem>>) src(%dma_wait3A_281 : memref<100352x4xf32, #tpu.memory_space<vmem_shared>>) dst(%dma_wait3A_275 : memref<256x4xf32, #tpu.memory_space<vmem>>)
      %dma_wait3A_282 = arith.constant 10 : i32
      %dma_wait3A_283 = arith.constant 2560 : i32
      %dma_wait3A_284 = arith.constant 0 : i32
      %dma_wait3A_285 = tpu.memref_slice %arg9[%dma_wait3A_283, %dma_wait3A_284] : memref<4096x4xf32, #tpu.memory_space<vmem>> -> memref<256x4xf32, #tpu.memory_space<vmem>>
      %dma_wait3A_286 = arith.constant 0 : i32
      %dma_wait3A_287 = tpu.memref_slice %arg8[%dma_wait3A_282, %dma_wait3A_286] : memref<16x256xi32, #tpu.memory_space<vmem>> -> memref<1x256xi32, #tpu.memory_space<vmem>>
      %dma_wait3A_288 = tpu.memref_squeeze %dma_wait3A_287 : memref<1x256xi32, #tpu.memory_space<vmem>> -> memref<256xi32, #tpu.memory_space<vmem>>
      %dma_wait3A_289 = arith.constant 0 : i32
      %dma_wait3A_290 = arith.constant 0 : i32
      %dma_wait3A_291 = tpu.memref_slice %arg7[%dma_wait3A_289, %dma_wait3A_290] : memref<100352x4xf32, #tpu.memory_space<vmem_shared>> -> memref<100352x4xf32, #tpu.memory_space<vmem_shared>>
      tpu.wait_indirect_dma semaphore(%arg13 : memref<!tpu.dma_semaphore, #tpu.memory_space<semaphore_mem>>) src(%dma_wait3A_291 : memref<100352x4xf32, #tpu.memory_space<vmem_shared>>) dst(%dma_wait3A_285 : memref<256x4xf32, #tpu.memory_space<vmem>>)
      %dma_wait3A_292 = arith.constant 11 : i32
      %dma_wait3A_293 = arith.constant 2816 : i32
      %dma_wait3A_294 = arith.constant 0 : i32
      %dma_wait3A_295 = tpu.memref_slice %arg9[%dma_wait3A_293, %dma_wait3A_294] : memref<4096x4xf32, #tpu.memory_space<vmem>> -> memref<256x4xf32, #tpu.memory_space<vmem>>
      %dma_wait3A_296 = arith.constant 0 : i32
      %dma_wait3A_297 = tpu.memref_slice %arg8[%dma_wait3A_292, %dma_wait3A_296] : memref<16x256xi32, #tpu.memory_space<vmem>> -> memref<1x256xi32, #tpu.memory_space<vmem>>
      %dma_wait3A_298 = tpu.memref_squeeze %dma_wait3A_297 : memref<1x256xi32, #tpu.memory_space<vmem>> -> memref<256xi32, #tpu.memory_space<vmem>>
      %dma_wait3A_299 = arith.constant 0 : i32
      %dma_wait3A_300 = arith.constant 0 : i32
      %dma_wait3A_301 = tpu.memref_slice %arg7[%dma_wait3A_299, %dma_wait3A_300] : memref<100352x4xf32, #tpu.memory_space<vmem_shared>> -> memref<100352x4xf32, #tpu.memory_space<vmem_shared>>
      tpu.wait_indirect_dma semaphore(%arg13 : memref<!tpu.dma_semaphore, #tpu.memory_space<semaphore_mem>>) src(%dma_wait3A_301 : memref<100352x4xf32, #tpu.memory_space<vmem_shared>>) dst(%dma_wait3A_295 : memref<256x4xf32, #tpu.memory_space<vmem>>)
      %dma_wait3A_302 = arith.constant 12 : i32
      %dma_wait3A_303 = arith.constant 3072 : i32
      %dma_wait3A_304 = arith.constant 0 : i32
      %dma_wait3A_305 = tpu.memref_slice %arg9[%dma_wait3A_303, %dma_wait3A_304] : memref<4096x4xf32, #tpu.memory_space<vmem>> -> memref<256x4xf32, #tpu.memory_space<vmem>>
      %dma_wait3A_306 = arith.constant 0 : i32
      %dma_wait3A_307 = tpu.memref_slice %arg8[%dma_wait3A_302, %dma_wait3A_306] : memref<16x256xi32, #tpu.memory_space<vmem>> -> memref<1x256xi32, #tpu.memory_space<vmem>>
      %dma_wait3A_308 = tpu.memref_squeeze %dma_wait3A_307 : memref<1x256xi32, #tpu.memory_space<vmem>> -> memref<256xi32, #tpu.memory_space<vmem>>
      %dma_wait3A_309 = arith.constant 0 : i32
      %dma_wait3A_310 = arith.constant 0 : i32
      %dma_wait3A_311 = tpu.memref_slice %arg7[%dma_wait3A_309, %dma_wait3A_310] : memref<100352x4xf32, #tpu.memory_space<vmem_shared>> -> memref<100352x4xf32, #tpu.memory_space<vmem_shared>>
      tpu.wait_indirect_dma semaphore(%arg13 : memref<!tpu.dma_semaphore, #tpu.memory_space<semaphore_mem>>) src(%dma_wait3A_311 : memref<100352x4xf32, #tpu.memory_space<vmem_shared>>) dst(%dma_wait3A_305 : memref<256x4xf32, #tpu.memory_space<vmem>>)
      %dma_wait3A_312 = arith.constant 13 : i32
      %dma_wait3A_313 = arith.constant 3328 : i32
      %dma_wait3A_314 = arith.constant 0 : i32
      %dma_wait3A_315 = tpu.memref_slice %arg9[%dma_wait3A_313, %dma_wait3A_314] : memref<4096x4xf32, #tpu.memory_space<vmem>> -> memref<256x4xf32, #tpu.memory_space<vmem>>
      %dma_wait3A_316 = arith.constant 0 : i32
      %dma_wait3A_317 = tpu.memref_slice %arg8[%dma_wait3A_312, %dma_wait3A_316] : memref<16x256xi32, #tpu.memory_space<vmem>> -> memref<1x256xi32, #tpu.memory_space<vmem>>
      %dma_wait3A_318 = tpu.memref_squeeze %dma_wait3A_317 : memref<1x256xi32, #tpu.memory_space<vmem>> -> memref<256xi32, #tpu.memory_space<vmem>>
      %dma_wait3A_319 = arith.constant 0 : i32
      %dma_wait3A_320 = arith.constant 0 : i32
      %dma_wait3A_321 = tpu.memref_slice %arg7[%dma_wait3A_319, %dma_wait3A_320] : memref<100352x4xf32, #tpu.memory_space<vmem_shared>> -> memref<100352x4xf32, #tpu.memory_space<vmem_shared>>
      tpu.wait_indirect_dma semaphore(%arg13 : memref<!tpu.dma_semaphore, #tpu.memory_space<semaphore_mem>>) src(%dma_wait3A_321 : memref<100352x4xf32, #tpu.memory_space<vmem_shared>>) dst(%dma_wait3A_315 : memref<256x4xf32, #tpu.memory_space<vmem>>)
      %dma_wait3A_322 = arith.constant 14 : i32
      %dma_wait3A_323 = arith.constant 3584 : i32
      %dma_wait3A_324 = arith.constant 0 : i32
      %dma_wait3A_325 = tpu.memref_slice %arg9[%dma_wait3A_323, %dma_wait3A_324] : memref<4096x4xf32, #tpu.memory_space<vmem>> -> memref<256x4xf32, #tpu.memory_space<vmem>>
      %dma_wait3A_326 = arith.constant 0 : i32
      %dma_wait3A_327 = tpu.memref_slice %arg8[%dma_wait3A_322, %dma_wait3A_326] : memref<16x256xi32, #tpu.memory_space<vmem>> -> memref<1x256xi32, #tpu.memory_space<vmem>>
      %dma_wait3A_328 = tpu.memref_squeeze %dma_wait3A_327 : memref<1x256xi32, #tpu.memory_space<vmem>> -> memref<256xi32, #tpu.memory_space<vmem>>
      %dma_wait3A_329 = arith.constant 0 : i32
      %dma_wait3A_330 = arith.constant 0 : i32
      %dma_wait3A_331 = tpu.memref_slice %arg7[%dma_wait3A_329, %dma_wait3A_330] : memref<100352x4xf32, #tpu.memory_space<vmem_shared>> -> memref<100352x4xf32, #tpu.memory_space<vmem_shared>>
      tpu.wait_indirect_dma semaphore(%arg13 : memref<!tpu.dma_semaphore, #tpu.memory_space<semaphore_mem>>) src(%dma_wait3A_331 : memref<100352x4xf32, #tpu.memory_space<vmem_shared>>) dst(%dma_wait3A_325 : memref<256x4xf32, #tpu.memory_space<vmem>>)
      %dma_wait3A_332 = arith.constant 15 : i32
      %dma_wait3A_333 = arith.constant 3840 : i32
      %dma_wait3A_334 = arith.constant 0 : i32
      %dma_wait3A_335 = tpu.memref_slice %arg9[%dma_wait3A_333, %dma_wait3A_334] : memref<4096x4xf32, #tpu.memory_space<vmem>> -> memref<256x4xf32, #tpu.memory_space<vmem>>
      %dma_wait3A_336 = arith.constant 0 : i32
      %dma_wait3A_337 = tpu.memref_slice %arg8[%dma_wait3A_332, %dma_wait3A_336] : memref<16x256xi32, #tpu.memory_space<vmem>> -> memref<1x256xi32, #tpu.memory_space<vmem>>
      %dma_wait3A_338 = tpu.memref_squeeze %dma_wait3A_337 : memref<1x256xi32, #tpu.memory_space<vmem>> -> memref<256xi32, #tpu.memory_space<vmem>>
      %dma_wait3A_339 = arith.constant 0 : i32
      %dma_wait3A_340 = arith.constant 0 : i32
      %dma_wait3A_341 = tpu.memref_slice %arg7[%dma_wait3A_339, %dma_wait3A_340] : memref<100352x4xf32, #tpu.memory_space<vmem_shared>> -> memref<100352x4xf32, #tpu.memory_space<vmem_shared>>
      tpu.wait_indirect_dma semaphore(%arg13 : memref<!tpu.dma_semaphore, #tpu.memory_space<semaphore_mem>>) src(%dma_wait3A_341 : memref<100352x4xf32, #tpu.memory_space<vmem_shared>>) dst(%dma_wait3A_335 : memref<256x4xf32, #tpu.memory_space<vmem>>)
      %scan3A_342 = arith.constant 0 : i32
      %scan3A_343 = arith.constant 0 : i32
      %scan3A_344 = arith.constant 8 : i32
      %scan3A_345 = arith.addi %scan3A_343, %scan3A_344 : i32
      %scan3A_346 = arith.constant 1 : i32
      scf.for %scan3A_353 = %scan3A_343 to %scan3A_345 step %scan3A_346  : i32 {
        %mul3A_354 = arith.constant 512 : i32
        %mul3A_355 = arith.muli %scan3A_353, %mul3A_354 : i32
        %broadcast_in_dim3A_356 = arith.constant 0.000000e+00 : f32
        %broadcast_in_dim3A_357 = vector.broadcast %broadcast_in_dim3A_356 : f32 to vector<16xf32>
        %add3A_358 = arith.constant 0 : i32
        %add3A_359 = arith.addi %mul3A_355, %add3A_358 : i32
        %add3A_360 = vector.broadcast %add3A_359 : i32 to vector<16xi32>
        %add3A_361 = arith.addi %mul3A_3, %add3A_360 : vector<16xi32>
        %add3A_362 = arith.constant 1 : i32
        %add3A_363 = vector.broadcast %add3A_362 : i32 to vector<16xi32>
        %add3A_364 = arith.addi %add3A_361, %add3A_363 : vector<16xi32>
        %gather3A = tpu.vector_load_idx %arg9[%add3A_361, %broadcast_in_dim3A_4] : memref<4096x4xf32, #tpu.memory_space<vmem>>[vector<16xi32>, vector<16xi32>], vector<16xf32>,
        %gather3A_365 = tpu.vector_load_idx %arg9[%add3A_361, %broadcast_in_dim3A_6] : memref<4096x4xf32, #tpu.memory_space<vmem>>[vector<16xi32>, vector<16xi32>], vector<16xf32>,
        %gather3A_366 = tpu.vector_load_idx %arg9[%add3A_361, %broadcast_in_dim3A_8] : memref<4096x4xf32, #tpu.memory_space<vmem>>[vector<16xi32>, vector<16xi32>], vector<16xf32>,
        %gather3A_367 = tpu.vector_load_idx %arg9[%add3A_361, %broadcast_in_dim3A_10] : memref<4096x4xf32, #tpu.memory_space<vmem>>[vector<16xi32>, vector<16xi32>], vector<16xf32>,
        %gather3A_368 = tpu.vector_load_idx %arg9[%add3A_364, %broadcast_in_dim3A_4] : memref<4096x4xf32, #tpu.memory_space<vmem>>[vector<16xi32>, vector<16xi32>], vector<16xf32>,
        %gather3A_369 = tpu.vector_load_idx %arg9[%add3A_364, %broadcast_in_dim3A_6] : memref<4096x4xf32, #tpu.memory_space<vmem>>[vector<16xi32>, vector<16xi32>], vector<16xf32>,
        %gather3A_370 = tpu.vector_load_idx %arg9[%add3A_364, %broadcast_in_dim3A_8] : memref<4096x4xf32, #tpu.memory_space<vmem>>[vector<16xi32>, vector<16xi32>], vector<16xf32>,
        %gather3A_371 = tpu.vector_load_idx %arg9[%add3A_364, %broadcast_in_dim3A_10] : memref<4096x4xf32, #tpu.memory_space<vmem>>[vector<16xi32>, vector<16xi32>], vector<16xf32>,
        %sub3A = arith.subf %gather3A, %gather3A_368 : vector<16xf32>
        %sub3A_372 = arith.subf %gather3A_365, %gather3A_369 : vector<16xf32>
        %sub3A_373 = arith.subf %gather3A_366, %gather3A_370 : vector<16xf32>
        %sub3A_374 = arith.subf %gather3A_367, %gather3A_371 : vector<16xf32>
        %mul3A_375 = arith.mulf %sub3A, %sub3A : vector<16xf32>
        %mul3A_376 = arith.mulf %sub3A_372, %sub3A_372 : vector<16xf32>
        %add3A_377 = arith.addf %mul3A_375, %mul3A_376 : vector<16xf32>
        %mul3A_378 = arith.mulf %sub3A_373, %sub3A_373 : vector<16xf32>
        %add3A_379 = arith.addf %add3A_377, %mul3A_378 : vector<16xf32>
        %eq3A = arith.constant 0.000000e+00 : f32
        %eq3A_380 = vector.broadcast %eq3A : f32 to vector<16xf32>
        %eq3A_381 = arith.cmpf oeq, %add3A_379, %eq3A_380 : vector<16xf32>
        %div3A = arith.constant 1.000000e+00 : f32
        %div3A_382 = vector.broadcast %div3A : f32 to vector<16xf32>
        %div3A_383 = arith.divf %div3A_382, %add3A_379 : vector<16xf32>
        %jit3A = arith.constant 1.000000e+00 : f32
        %broadcast_in_dim3A_384 = vector.broadcast %jit3A : f32 to vector<16xf32>
        %select_n3A = arith.select %eq3A_381, %broadcast_in_dim3A_384, %div3A_383 : vector<16xi1>, vector<16xf32>
        %mul3A_385 = arith.mulf %select_n3A, %sub3A : vector<16xf32>
        %mul3A_386 = arith.mulf %select_n3A, %sub3A_372 : vector<16xf32>
        %mul3A_387 = arith.mulf %select_n3A, %sub3A_373 : vector<16xf32>
        %mul3A_388 = arith.mulf %mul3A_385, %sub3A : vector<16xf32>
        %add3A_389 = arith.addf %broadcast_in_dim3A_357, %mul3A_388 : vector<16xf32>
        %mul3A_390 = arith.mulf %mul3A_385, %sub3A_372 : vector<16xf32>
        %add3A_391 = arith.addf %broadcast_in_dim3A_357, %mul3A_390 : vector<16xf32>
        %mul3A_392 = arith.mulf %mul3A_385, %sub3A_373 : vector<16xf32>
        %add3A_393 = arith.addf %broadcast_in_dim3A_357, %mul3A_392 : vector<16xf32>
        %mul3A_394 = arith.mulf %mul3A_385, %sub3A_374 : vector<16xf32>
        %add3A_395 = arith.addf %broadcast_in_dim3A_357, %mul3A_394 : vector<16xf32>
        %mul3A_396 = arith.mulf %mul3A_386, %sub3A_372 : vector<16xf32>
        %add3A_397 = arith.addf %broadcast_in_dim3A_357, %mul3A_396 : vector<16xf32>
        %mul3A_398 = arith.mulf %mul3A_386, %sub3A_373 : vector<16xf32>
        %add3A_399 = arith.addf %broadcast_in_dim3A_357, %mul3A_398 : vector<16xf32>
        %mul3A_400 = arith.mulf %mul3A_386, %sub3A_374 : vector<16xf32>
        %add3A_401 = arith.addf %broadcast_in_dim3A_357, %mul3A_400 : vector<16xf32>
        %mul3A_402 = arith.mulf %mul3A_387, %sub3A_373 : vector<16xf32>
        %add3A_403 = arith.addf %broadcast_in_dim3A_357, %mul3A_402 : vector<16xf32>
        %mul3A_404 = arith.mulf %mul3A_387, %sub3A_374 : vector<16xf32>
        %add3A_405 = arith.addf %broadcast_in_dim3A_357, %mul3A_404 : vector<16xf32>
        %add3A_406 = arith.constant 2 : i32
        %add3A_407 = arith.addi %mul3A_355, %add3A_406 : i32
        %add3A_408 = vector.broadcast %add3A_407 : i32 to vector<16xi32>
        %add3A_409 = arith.addi %mul3A_3, %add3A_408 : vector<16xi32>
        %add3A_410 = arith.constant 1 : i32
        %add3A_411 = vector.broadcast %add3A_410 : i32 to vector<16xi32>
        %add3A_412 = arith.addi %add3A_409, %add3A_411 : vector<16xi32>
        %gather3A_413 = tpu.vector_load_idx %arg9[%add3A_409, %broadcast_in_dim3A_4] : memref<4096x4xf32, #tpu.memory_space<vmem>>[vector<16xi32>, vector<16xi32>], vector<16xf32>,
        %gather3A_414 = tpu.vector_load_idx %arg9[%add3A_409, %broadcast_in_dim3A_6] : memref<4096x4xf32, #tpu.memory_space<vmem>>[vector<16xi32>, vector<16xi32>], vector<16xf32>,
        %gather3A_415 = tpu.vector_load_idx %arg9[%add3A_409, %broadcast_in_dim3A_8] : memref<4096x4xf32, #tpu.memory_space<vmem>>[vector<16xi32>, vector<16xi32>], vector<16xf32>,
        %gather3A_416 = tpu.vector_load_idx %arg9[%add3A_409, %broadcast_in_dim3A_10] : memref<4096x4xf32, #tpu.memory_space<vmem>>[vector<16xi32>, vector<16xi32>], vector<16xf32>,
        %gather3A_417 = tpu.vector_load_idx %arg9[%add3A_412, %broadcast_in_dim3A_4] : memref<4096x4xf32, #tpu.memory_space<vmem>>[vector<16xi32>, vector<16xi32>], vector<16xf32>,
        %gather3A_418 = tpu.vector_load_idx %arg9[%add3A_412, %broadcast_in_dim3A_6] : memref<4096x4xf32, #tpu.memory_space<vmem>>[vector<16xi32>, vector<16xi32>], vector<16xf32>,
        %gather3A_419 = tpu.vector_load_idx %arg9[%add3A_412, %broadcast_in_dim3A_8] : memref<4096x4xf32, #tpu.memory_space<vmem>>[vector<16xi32>, vector<16xi32>], vector<16xf32>,
        %gather3A_420 = tpu.vector_load_idx %arg9[%add3A_412, %broadcast_in_dim3A_10] : memref<4096x4xf32, #tpu.memory_space<vmem>>[vector<16xi32>, vector<16xi32>], vector<16xf32>,
        %sub3A_421 = arith.subf %gather3A_413, %gather3A_417 : vector<16xf32>
        %sub3A_422 = arith.subf %gather3A_414, %gather3A_418 : vector<16xf32>
        %sub3A_423 = arith.subf %gather3A_415, %gather3A_419 : vector<16xf32>
        %sub3A_424 = arith.subf %gather3A_416, %gather3A_420 : vector<16xf32>
        %mul3A_425 = arith.mulf %sub3A_421, %sub3A_421 : vector<16xf32>
        %mul3A_426 = arith.mulf %sub3A_422, %sub3A_422 : vector<16xf32>
        %add3A_427 = arith.addf %mul3A_425, %mul3A_426 : vector<16xf32>
        %mul3A_428 = arith.mulf %sub3A_423, %sub3A_423 : vector<16xf32>
        %add3A_429 = arith.addf %add3A_427, %mul3A_428 : vector<16xf32>
        %eq3A_430 = arith.constant 0.000000e+00 : f32
        %eq3A_431 = vector.broadcast %eq3A_430 : f32 to vector<16xf32>
        %eq3A_432 = arith.cmpf oeq, %add3A_429, %eq3A_431 : vector<16xf32>
        %div3A_433 = arith.constant 1.000000e+00 : f32
        %div3A_434 = vector.broadcast %div3A_433 : f32 to vector<16xf32>
        %div3A_435 = arith.divf %div3A_434, %add3A_429 : vector<16xf32>
        %jit3A_436 = arith.constant 1.000000e+00 : f32
        %broadcast_in_dim3A_437 = vector.broadcast %jit3A_436 : f32 to vector<16xf32>
        %select_n3A_438 = arith.select %eq3A_432, %broadcast_in_dim3A_437, %div3A_435 : vector<16xi1>, vector<16xf32>
        %mul3A_439 = arith.mulf %select_n3A_438, %sub3A_421 : vector<16xf32>
        %mul3A_440 = arith.mulf %select_n3A_438, %sub3A_422 : vector<16xf32>
        %mul3A_441 = arith.mulf %select_n3A_438, %sub3A_423 : vector<16xf32>
        %mul3A_442 = arith.mulf %mul3A_439, %sub3A_421 : vector<16xf32>
        %add3A_443 = arith.addf %add3A_389, %mul3A_442 : vector<16xf32>
        %mul3A_444 = arith.mulf %mul3A_439, %sub3A_422 : vector<16xf32>
        %add3A_445 = arith.addf %add3A_391, %mul3A_444 : vector<16xf32>
        %mul3A_446 = arith.mulf %mul3A_439, %sub3A_423 : vector<16xf32>
        %add3A_447 = arith.addf %add3A_393, %mul3A_446 : vector<16xf32>
        %mul3A_448 = arith.mulf %mul3A_439, %sub3A_424 : vector<16xf32>
        %add3A_449 = arith.addf %add3A_395, %mul3A_448 : vector<16xf32>
        %mul3A_450 = arith.mulf %mul3A_440, %sub3A_422 : vector<16xf32>
        %add3A_451 = arith.addf %add3A_397, %mul3A_450 : vector<16xf32>
        %mul3A_452 = arith.mulf %mul3A_440, %sub3A_423 : vector<16xf32>
        %add3A_453 = arith.addf %add3A_399, %mul3A_452 : vector<16xf32>
        %mul3A_454 = arith.mulf %mul3A_440, %sub3A_424 : vector<16xf32>
        %add3A_455 = arith.addf %add3A_401, %mul3A_454 : vector<16xf32>
        %mul3A_456 = arith.mulf %mul3A_441, %sub3A_423 : vector<16xf32>
        %add3A_457 = arith.addf %add3A_403, %mul3A_456 : vector<16xf32>
        %mul3A_458 = arith.mulf %mul3A_441, %sub3A_424 : vector<16xf32>
        %add3A_459 = arith.addf %add3A_405, %mul3A_458 : vector<16xf32>
        %add3A_460 = arith.constant 4 : i32
        %add3A_461 = arith.addi %mul3A_355, %add3A_460 : i32
        %add3A_462 = vector.broadcast %add3A_461 : i32 to vector<16xi32>
        %add3A_463 = arith.addi %mul3A_3, %add3A_462 : vector<16xi32>
        %add3A_464 = arith.constant 1 : i32
        %add3A_465 = vector.broadcast %add3A_464 : i32 to vector<16xi32>
        %add3A_466 = arith.addi %add3A_463, %add3A_465 : vector<16xi32>
        %gather3A_467 = tpu.vector_load_idx %arg9[%add3A_463, %broadcast_in_dim3A_4] : memref<4096x4xf32, #tpu.memory_space<vmem>>[vector<16xi32>, vector<16xi32>], vector<16xf32>,
        %gather3A_468 = tpu.vector_load_idx %arg9[%add3A_463, %broadcast_in_dim3A_6] : memref<4096x4xf32, #tpu.memory_space<vmem>>[vector<16xi32>, vector<16xi32>], vector<16xf32>,
        %gather3A_469 = tpu.vector_load_idx %arg9[%add3A_463, %broadcast_in_dim3A_8] : memref<4096x4xf32, #tpu.memory_space<vmem>>[vector<16xi32>, vector<16xi32>], vector<16xf32>,
        %gather3A_470 = tpu.vector_load_idx %arg9[%add3A_463, %broadcast_in_dim3A_10] : memref<4096x4xf32, #tpu.memory_space<vmem>>[vector<16xi32>, vector<16xi32>], vector<16xf32>,
        %gather3A_471 = tpu.vector_load_idx %arg9[%add3A_466, %broadcast_in_dim3A_4] : memref<4096x4xf32, #tpu.memory_space<vmem>>[vector<16xi32>, vector<16xi32>], vector<16xf32>,
        %gather3A_472 = tpu.vector_load_idx %arg9[%add3A_466, %broadcast_in_dim3A_6] : memref<4096x4xf32, #tpu.memory_space<vmem>>[vector<16xi32>, vector<16xi32>], vector<16xf32>,
        %gather3A_473 = tpu.vector_load_idx %arg9[%add3A_466, %broadcast_in_dim3A_8] : memref<4096x4xf32, #tpu.memory_space<vmem>>[vector<16xi32>, vector<16xi32>], vector<16xf32>,
        %gather3A_474 = tpu.vector_load_idx %arg9[%add3A_466, %broadcast_in_dim3A_10] : memref<4096x4xf32, #tpu.memory_space<vmem>>[vector<16xi32>, vector<16xi32>], vector<16xf32>,
        %sub3A_475 = arith.subf %gather3A_467, %gather3A_471 : vector<16xf32>
        %sub3A_476 = arith.subf %gather3A_468, %gather3A_472 : vector<16xf32>
        %sub3A_477 = arith.subf %gather3A_469, %gather3A_473 : vector<16xf32>
        %sub3A_478 = arith.subf %gather3A_470, %gather3A_474 : vector<16xf32>
        %mul3A_479 = arith.mulf %sub3A_475, %sub3A_475 : vector<16xf32>
        %mul3A_480 = arith.mulf %sub3A_476, %sub3A_476 : vector<16xf32>
        %add3A_481 = arith.addf %mul3A_479, %mul3A_480 : vector<16xf32>
        %mul3A_482 = arith.mulf %sub3A_477, %sub3A_477 : vector<16xf32>
        %add3A_483 = arith.addf %add3A_481, %mul3A_482 : vector<16xf32>
        %eq3A_484 = arith.constant 0.000000e+00 : f32
        %eq3A_485 = vector.broadcast %eq3A_484 : f32 to vector<16xf32>
        %eq3A_486 = arith.cmpf oeq, %add3A_483, %eq3A_485 : vector<16xf32>
        %div3A_487 = arith.constant 1.000000e+00 : f32
        %div3A_488 = vector.broadcast %div3A_487 : f32 to vector<16xf32>
        %div3A_489 = arith.divf %div3A_488, %add3A_483 : vector<16xf32>
        %jit3A_490 = arith.constant 1.000000e+00 : f32
        %broadcast_in_dim3A_491 = vector.broadcast %jit3A_490 : f32 to vector<16xf32>
        %select_n3A_492 = arith.select %eq3A_486, %broadcast_in_dim3A_491, %div3A_489 : vector<16xi1>, vector<16xf32>
        %mul3A_493 = arith.mulf %select_n3A_492, %sub3A_475 : vector<16xf32>
        %mul3A_494 = arith.mulf %select_n3A_492, %sub3A_476 : vector<16xf32>
        %mul3A_495 = arith.mulf %select_n3A_492, %sub3A_477 : vector<16xf32>
        %mul3A_496 = arith.mulf %mul3A_493, %sub3A_475 : vector<16xf32>
        %add3A_497 = arith.addf %add3A_443, %mul3A_496 : vector<16xf32>
        %mul3A_498 = arith.mulf %mul3A_493, %sub3A_476 : vector<16xf32>
        %add3A_499 = arith.addf %add3A_445, %mul3A_498 : vector<16xf32>
        %mul3A_500 = arith.mulf %mul3A_493, %sub3A_477 : vector<16xf32>
        %add3A_501 = arith.addf %add3A_447, %mul3A_500 : vector<16xf32>
        %mul3A_502 = arith.mulf %mul3A_493, %sub3A_478 : vector<16xf32>
        %add3A_503 = arith.addf %add3A_449, %mul3A_502 : vector<16xf32>
        %mul3A_504 = arith.mulf %mul3A_494, %sub3A_476 : vector<16xf32>
        %add3A_505 = arith.addf %add3A_451, %mul3A_504 : vector<16xf32>
        %mul3A_506 = arith.mulf %mul3A_494, %sub3A_477 : vector<16xf32>
        %add3A_507 = arith.addf %add3A_453, %mul3A_506 : vector<16xf32>
        %mul3A_508 = arith.mulf %mul3A_494, %sub3A_478 : vector<16xf32>
        %add3A_509 = arith.addf %add3A_455, %mul3A_508 : vector<16xf32>
        %mul3A_510 = arith.mulf %mul3A_495, %sub3A_477 : vector<16xf32>
        %add3A_511 = arith.addf %add3A_457, %mul3A_510 : vector<16xf32>
        %mul3A_512 = arith.mulf %mul3A_495, %sub3A_478 : vector<16xf32>
        %add3A_513 = arith.addf %add3A_459, %mul3A_512 : vector<16xf32>
        %add3A_514 = arith.constant 6 : i32
        %add3A_515 = arith.addi %mul3A_355, %add3A_514 : i32
        %add3A_516 = vector.broadcast %add3A_515 : i32 to vector<16xi32>
        %add3A_517 = arith.addi %mul3A_3, %add3A_516 : vector<16xi32>
        %add3A_518 = arith.constant 1 : i32
        %add3A_519 = vector.broadcast %add3A_518 : i32 to vector<16xi32>
        %add3A_520 = arith.addi %add3A_517, %add3A_519 : vector<16xi32>
        %gather3A_521 = tpu.vector_load_idx %arg9[%add3A_517, %broadcast_in_dim3A_4] : memref<4096x4xf32, #tpu.memory_space<vmem>>[vector<16xi32>, vector<16xi32>], vector<16xf32>,
        %gather3A_522 = tpu.vector_load_idx %arg9[%add3A_517, %broadcast_in_dim3A_6] : memref<4096x4xf32, #tpu.memory_space<vmem>>[vector<16xi32>, vector<16xi32>], vector<16xf32>,
        %gather3A_523 = tpu.vector_load_idx %arg9[%add3A_517, %broadcast_in_dim3A_8] : memref<4096x4xf32, #tpu.memory_space<vmem>>[vector<16xi32>, vector<16xi32>], vector<16xf32>,
        %gather3A_524 = tpu.vector_load_idx %arg9[%add3A_517, %broadcast_in_dim3A_10] : memref<4096x4xf32, #tpu.memory_space<vmem>>[vector<16xi32>, vector<16xi32>], vector<16xf32>,
        %gather3A_525 = tpu.vector_load_idx %arg9[%add3A_520, %broadcast_in_dim3A_4] : memref<4096x4xf32, #tpu.memory_space<vmem>>[vector<16xi32>, vector<16xi32>], vector<16xf32>,
        %gather3A_526 = tpu.vector_load_idx %arg9[%add3A_520, %broadcast_in_dim3A_6] : memref<4096x4xf32, #tpu.memory_space<vmem>>[vector<16xi32>, vector<16xi32>], vector<16xf32>,
        %gather3A_527 = tpu.vector_load_idx %arg9[%add3A_520, %broadcast_in_dim3A_8] : memref<4096x4xf32, #tpu.memory_space<vmem>>[vector<16xi32>, vector<16xi32>], vector<16xf32>,
        %gather3A_528 = tpu.vector_load_idx %arg9[%add3A_520, %broadcast_in_dim3A_10] : memref<4096x4xf32, #tpu.memory_space<vmem>>[vector<16xi32>, vector<16xi32>], vector<16xf32>,
        %sub3A_529 = arith.subf %gather3A_521, %gather3A_525 : vector<16xf32>
        %sub3A_530 = arith.subf %gather3A_522, %gather3A_526 : vector<16xf32>
        %sub3A_531 = arith.subf %gather3A_523, %gather3A_527 : vector<16xf32>
        %sub3A_532 = arith.subf %gather3A_524, %gather3A_528 : vector<16xf32>
        %mul3A_533 = arith.mulf %sub3A_529, %sub3A_529 : vector<16xf32>
        %mul3A_534 = arith.mulf %sub3A_530, %sub3A_530 : vector<16xf32>
        %add3A_535 = arith.addf %mul3A_533, %mul3A_534 : vector<16xf32>
        %mul3A_536 = arith.mulf %sub3A_531, %sub3A_531 : vector<16xf32>
        %add3A_537 = arith.addf %add3A_535, %mul3A_536 : vector<16xf32>
        %eq3A_538 = arith.constant 0.000000e+00 : f32
        %eq3A_539 = vector.broadcast %eq3A_538 : f32 to vector<16xf32>
        %eq3A_540 = arith.cmpf oeq, %add3A_537, %eq3A_539 : vector<16xf32>
        %div3A_541 = arith.constant 1.000000e+00 : f32
        %div3A_542 = vector.broadcast %div3A_541 : f32 to vector<16xf32>
        %div3A_543 = arith.divf %div3A_542, %add3A_537 : vector<16xf32>
        %jit3A_544 = arith.constant 1.000000e+00 : f32
        %broadcast_in_dim3A_545 = vector.broadcast %jit3A_544 : f32 to vector<16xf32>
        %select_n3A_546 = arith.select %eq3A_540, %broadcast_in_dim3A_545, %div3A_543 : vector<16xi1>, vector<16xf32>
        %mul3A_547 = arith.mulf %select_n3A_546, %sub3A_529 : vector<16xf32>
        %mul3A_548 = arith.mulf %select_n3A_546, %sub3A_530 : vector<16xf32>
        %mul3A_549 = arith.mulf %select_n3A_546, %sub3A_531 : vector<16xf32>
        %mul3A_550 = arith.mulf %mul3A_547, %sub3A_529 : vector<16xf32>
        %add3A_551 = arith.addf %add3A_497, %mul3A_550 : vector<16xf32>
        %mul3A_552 = arith.mulf %mul3A_547, %sub3A_530 : vector<16xf32>
        %add3A_553 = arith.addf %add3A_499, %mul3A_552 : vector<16xf32>
        %mul3A_554 = arith.mulf %mul3A_547, %sub3A_531 : vector<16xf32>
        %add3A_555 = arith.addf %add3A_501, %mul3A_554 : vector<16xf32>
        %mul3A_556 = arith.mulf %mul3A_547, %sub3A_532 : vector<16xf32>
        %add3A_557 = arith.addf %add3A_503, %mul3A_556 : vector<16xf32>
        %mul3A_558 = arith.mulf %mul3A_548, %sub3A_530 : vector<16xf32>
        %add3A_559 = arith.addf %add3A_505, %mul3A_558 : vector<16xf32>
        %mul3A_560 = arith.mulf %mul3A_548, %sub3A_531 : vector<16xf32>
        %add3A_561 = arith.addf %add3A_507, %mul3A_560 : vector<16xf32>
        %mul3A_562 = arith.mulf %mul3A_548, %sub3A_532 : vector<16xf32>
        %add3A_563 = arith.addf %add3A_509, %mul3A_562 : vector<16xf32>
        %mul3A_564 = arith.mulf %mul3A_549, %sub3A_531 : vector<16xf32>
        %add3A_565 = arith.addf %add3A_511, %mul3A_564 : vector<16xf32>
        %mul3A_566 = arith.mulf %mul3A_549, %sub3A_532 : vector<16xf32>
        %add3A_567 = arith.addf %add3A_513, %mul3A_566 : vector<16xf32>
        %add3A_568 = arith.constant 8 : i32
        %add3A_569 = arith.addi %mul3A_355, %add3A_568 : i32
        %add3A_570 = vector.broadcast %add3A_569 : i32 to vector<16xi32>
        %add3A_571 = arith.addi %mul3A_3, %add3A_570 : vector<16xi32>
        %add3A_572 = arith.constant 1 : i32
        %add3A_573 = vector.broadcast %add3A_572 : i32 to vector<16xi32>
        %add3A_574 = arith.addi %add3A_571, %add3A_573 : vector<16xi32>
        %gather3A_575 = tpu.vector_load_idx %arg9[%add3A_571, %broadcast_in_dim3A_4] : memref<4096x4xf32, #tpu.memory_space<vmem>>[vector<16xi32>, vector<16xi32>], vector<16xf32>,
        %gather3A_576 = tpu.vector_load_idx %arg9[%add3A_571, %broadcast_in_dim3A_6] : memref<4096x4xf32, #tpu.memory_space<vmem>>[vector<16xi32>, vector<16xi32>], vector<16xf32>,
        %gather3A_577 = tpu.vector_load_idx %arg9[%add3A_571, %broadcast_in_dim3A_8] : memref<4096x4xf32, #tpu.memory_space<vmem>>[vector<16xi32>, vector<16xi32>], vector<16xf32>,
        %gather3A_578 = tpu.vector_load_idx %arg9[%add3A_571, %broadcast_in_dim3A_10] : memref<4096x4xf32, #tpu.memory_space<vmem>>[vector<16xi32>, vector<16xi32>], vector<16xf32>,
        %gather3A_579 = tpu.vector_load_idx %arg9[%add3A_574, %broadcast_in_dim3A_4] : memref<4096x4xf32, #tpu.memory_space<vmem>>[vector<16xi32>, vector<16xi32>], vector<16xf32>,
        %gather3A_580 = tpu.vector_load_idx %arg9[%add3A_574, %broadcast_in_dim3A_6] : memref<4096x4xf32, #tpu.memory_space<vmem>>[vector<16xi32>, vector<16xi32>], vector<16xf32>,
        %gather3A_581 = tpu.vector_load_idx %arg9[%add3A_574, %broadcast_in_dim3A_8] : memref<4096x4xf32, #tpu.memory_space<vmem>>[vector<16xi32>, vector<16xi32>], vector<16xf32>,
        %gather3A_582 = tpu.vector_load_idx %arg9[%add3A_574, %broadcast_in_dim3A_10] : memref<4096x4xf32, #tpu.memory_space<vmem>>[vector<16xi32>, vector<16xi32>], vector<16xf32>,
        %sub3A_583 = arith.subf %gather3A_575, %gather3A_579 : vector<16xf32>
        %sub3A_584 = arith.subf %gather3A_576, %gather3A_580 : vector<16xf32>
        %sub3A_585 = arith.subf %gather3A_577, %gather3A_581 : vector<16xf32>
        %sub3A_586 = arith.subf %gather3A_578, %gather3A_582 : vector<16xf32>
        %mul3A_587 = arith.mulf %sub3A_583, %sub3A_583 : vector<16xf32>
        %mul3A_588 = arith.mulf %sub3A_584, %sub3A_584 : vector<16xf32>
        %add3A_589 = arith.addf %mul3A_587, %mul3A_588 : vector<16xf32>
        %mul3A_590 = arith.mulf %sub3A_585, %sub3A_585 : vector<16xf32>
        %add3A_591 = arith.addf %add3A_589, %mul3A_590 : vector<16xf32>
        %eq3A_592 = arith.constant 0.000000e+00 : f32
        %eq3A_593 = vector.broadcast %eq3A_592 : f32 to vector<16xf32>
        %eq3A_594 = arith.cmpf oeq, %add3A_591, %eq3A_593 : vector<16xf32>
        %div3A_595 = arith.constant 1.000000e+00 : f32
        %div3A_596 = vector.broadcast %div3A_595 : f32 to vector<16xf32>
        %div3A_597 = arith.divf %div3A_596, %add3A_591 : vector<16xf32>
        %jit3A_598 = arith.constant 1.000000e+00 : f32
        %broadcast_in_dim3A_599 = vector.broadcast %jit3A_598 : f32 to vector<16xf32>
        %select_n3A_600 = arith.select %eq3A_594, %broadcast_in_dim3A_599, %div3A_597 : vector<16xi1>, vector<16xf32>
        %mul3A_601 = arith.mulf %select_n3A_600, %sub3A_583 : vector<16xf32>
        %mul3A_602 = arith.mulf %select_n3A_600, %sub3A_584 : vector<16xf32>
        %mul3A_603 = arith.mulf %select_n3A_600, %sub3A_585 : vector<16xf32>
        %mul3A_604 = arith.mulf %mul3A_601, %sub3A_583 : vector<16xf32>
        %add3A_605 = arith.addf %add3A_551, %mul3A_604 : vector<16xf32>
        %mul3A_606 = arith.mulf %mul3A_601, %sub3A_584 : vector<16xf32>
        %add3A_607 = arith.addf %add3A_553, %mul3A_606 : vector<16xf32>
        %mul3A_608 = arith.mulf %mul3A_601, %sub3A_585 : vector<16xf32>
        %add3A_609 = arith.addf %add3A_555, %mul3A_608 : vector<16xf32>
        %mul3A_610 = arith.mulf %mul3A_601, %sub3A_586 : vector<16xf32>
        %add3A_611 = arith.addf %add3A_557, %mul3A_610 : vector<16xf32>
        %mul3A_612 = arith.mulf %mul3A_602, %sub3A_584 : vector<16xf32>
        %add3A_613 = arith.addf %add3A_559, %mul3A_612 : vector<16xf32>
        %mul3A_614 = arith.mulf %mul3A_602, %sub3A_585 : vector<16xf32>
        %add3A_615 = arith.addf %add3A_561, %mul3A_614 : vector<16xf32>
        %mul3A_616 = arith.mulf %mul3A_602, %sub3A_586 : vector<16xf32>
        %add3A_617 = arith.addf %add3A_563, %mul3A_616 : vector<16xf32>
        %mul3A_618 = arith.mulf %mul3A_603, %sub3A_585 : vector<16xf32>
        %add3A_619 = arith.addf %add3A_565, %mul3A_618 : vector<16xf32>
        %mul3A_620 = arith.mulf %mul3A_603, %sub3A_586 : vector<16xf32>
        %add3A_621 = arith.addf %add3A_567, %mul3A_620 : vector<16xf32>
        %add3A_622 = arith.constant 10 : i32
        %add3A_623 = arith.addi %mul3A_355, %add3A_622 : i32
        %add3A_624 = vector.broadcast %add3A_623 : i32 to vector<16xi32>
        %add3A_625 = arith.addi %mul3A_3, %add3A_624 : vector<16xi32>
        %add3A_626 = arith.constant 1 : i32
        %add3A_627 = vector.broadcast %add3A_626 : i32 to vector<16xi32>
        %add3A_628 = arith.addi %add3A_625, %add3A_627 : vector<16xi32>
        %gather3A_629 = tpu.vector_load_idx %arg9[%add3A_625, %broadcast_in_dim3A_4] : memref<4096x4xf32, #tpu.memory_space<vmem>>[vector<16xi32>, vector<16xi32>], vector<16xf32>,
        %gather3A_630 = tpu.vector_load_idx %arg9[%add3A_625, %broadcast_in_dim3A_6] : memref<4096x4xf32, #tpu.memory_space<vmem>>[vector<16xi32>, vector<16xi32>], vector<16xf32>,
        %gather3A_631 = tpu.vector_load_idx %arg9[%add3A_625, %broadcast_in_dim3A_8] : memref<4096x4xf32, #tpu.memory_space<vmem>>[vector<16xi32>, vector<16xi32>], vector<16xf32>,
        %gather3A_632 = tpu.vector_load_idx %arg9[%add3A_625, %broadcast_in_dim3A_10] : memref<4096x4xf32, #tpu.memory_space<vmem>>[vector<16xi32>, vector<16xi32>], vector<16xf32>,
        %gather3A_633 = tpu.vector_load_idx %arg9[%add3A_628, %broadcast_in_dim3A_4] : memref<4096x4xf32, #tpu.memory_space<vmem>>[vector<16xi32>, vector<16xi32>], vector<16xf32>,
        %gather3A_634 = tpu.vector_load_idx %arg9[%add3A_628, %broadcast_in_dim3A_6] : memref<4096x4xf32, #tpu.memory_space<vmem>>[vector<16xi32>, vector<16xi32>], vector<16xf32>,
        %gather3A_635 = tpu.vector_load_idx %arg9[%add3A_628, %broadcast_in_dim3A_8] : memref<4096x4xf32, #tpu.memory_space<vmem>>[vector<16xi32>, vector<16xi32>], vector<16xf32>,
        %gather3A_636 = tpu.vector_load_idx %arg9[%add3A_628, %broadcast_in_dim3A_10] : memref<4096x4xf32, #tpu.memory_space<vmem>>[vector<16xi32>, vector<16xi32>], vector<16xf32>,
        %sub3A_637 = arith.subf %gather3A_629, %gather3A_633 : vector<16xf32>
        %sub3A_638 = arith.subf %gather3A_630, %gather3A_634 : vector<16xf32>
        %sub3A_639 = arith.subf %gather3A_631, %gather3A_635 : vector<16xf32>
        %sub3A_640 = arith.subf %gather3A_632, %gather3A_636 : vector<16xf32>
        %mul3A_641 = arith.mulf %sub3A_637, %sub3A_637 : vector<16xf32>
        %mul3A_642 = arith.mulf %sub3A_638, %sub3A_638 : vector<16xf32>
        %add3A_643 = arith.addf %mul3A_641, %mul3A_642 : vector<16xf32>
        %mul3A_644 = arith.mulf %sub3A_639, %sub3A_639 : vector<16xf32>
        %add3A_645 = arith.addf %add3A_643, %mul3A_644 : vector<16xf32>
        %eq3A_646 = arith.constant 0.000000e+00 : f32
        %eq3A_647 = vector.broadcast %eq3A_646 : f32 to vector<16xf32>
        %eq3A_648 = arith.cmpf oeq, %add3A_645, %eq3A_647 : vector<16xf32>
        %div3A_649 = arith.constant 1.000000e+00 : f32
        %div3A_650 = vector.broadcast %div3A_649 : f32 to vector<16xf32>
        %div3A_651 = arith.divf %div3A_650, %add3A_645 : vector<16xf32>
        %jit3A_652 = arith.constant 1.000000e+00 : f32
        %broadcast_in_dim3A_653 = vector.broadcast %jit3A_652 : f32 to vector<16xf32>
        %select_n3A_654 = arith.select %eq3A_648, %broadcast_in_dim3A_653, %div3A_651 : vector<16xi1>, vector<16xf32>
        %mul3A_655 = arith.mulf %select_n3A_654, %sub3A_637 : vector<16xf32>
        %mul3A_656 = arith.mulf %select_n3A_654, %sub3A_638 : vector<16xf32>
        %mul3A_657 = arith.mulf %select_n3A_654, %sub3A_639 : vector<16xf32>
        %mul3A_658 = arith.mulf %mul3A_655, %sub3A_637 : vector<16xf32>
        %add3A_659 = arith.addf %add3A_605, %mul3A_658 : vector<16xf32>
        %mul3A_660 = arith.mulf %mul3A_655, %sub3A_638 : vector<16xf32>
        %add3A_661 = arith.addf %add3A_607, %mul3A_660 : vector<16xf32>
        %mul3A_662 = arith.mulf %mul3A_655, %sub3A_639 : vector<16xf32>
        %add3A_663 = arith.addf %add3A_609, %mul3A_662 : vector<16xf32>
        %mul3A_664 = arith.mulf %mul3A_655, %sub3A_640 : vector<16xf32>
        %add3A_665 = arith.addf %add3A_611, %mul3A_664 : vector<16xf32>
        %mul3A_666 = arith.mulf %mul3A_656, %sub3A_638 : vector<16xf32>
        %add3A_667 = arith.addf %add3A_613, %mul3A_666 : vector<16xf32>
        %mul3A_668 = arith.mulf %mul3A_656, %sub3A_639 : vector<16xf32>
        %add3A_669 = arith.addf %add3A_615, %mul3A_668 : vector<16xf32>
        %mul3A_670 = arith.mulf %mul3A_656, %sub3A_640 : vector<16xf32>
        %add3A_671 = arith.addf %add3A_617, %mul3A_670 : vector<16xf32>
        %mul3A_672 = arith.mulf %mul3A_657, %sub3A_639 : vector<16xf32>
        %add3A_673 = arith.addf %add3A_619, %mul3A_672 : vector<16xf32>
        %mul3A_674 = arith.mulf %mul3A_657, %sub3A_640 : vector<16xf32>
        %add3A_675 = arith.addf %add3A_621, %mul3A_674 : vector<16xf32>
        %add3A_676 = arith.constant 12 : i32
        %add3A_677 = arith.addi %mul3A_355, %add3A_676 : i32
        %add3A_678 = vector.broadcast %add3A_677 : i32 to vector<16xi32>
        %add3A_679 = arith.addi %mul3A_3, %add3A_678 : vector<16xi32>
        %add3A_680 = arith.constant 1 : i32
        %add3A_681 = vector.broadcast %add3A_680 : i32 to vector<16xi32>
        %add3A_682 = arith.addi %add3A_679, %add3A_681 : vector<16xi32>
        %gather3A_683 = tpu.vector_load_idx %arg9[%add3A_679, %broadcast_in_dim3A_4] : memref<4096x4xf32, #tpu.memory_space<vmem>>[vector<16xi32>, vector<16xi32>], vector<16xf32>,
        %gather3A_684 = tpu.vector_load_idx %arg9[%add3A_679, %broadcast_in_dim3A_6] : memref<4096x4xf32, #tpu.memory_space<vmem>>[vector<16xi32>, vector<16xi32>], vector<16xf32>,
        %gather3A_685 = tpu.vector_load_idx %arg9[%add3A_679, %broadcast_in_dim3A_8] : memref<4096x4xf32, #tpu.memory_space<vmem>>[vector<16xi32>, vector<16xi32>], vector<16xf32>,
        %gather3A_686 = tpu.vector_load_idx %arg9[%add3A_679, %broadcast_in_dim3A_10] : memref<4096x4xf32, #tpu.memory_space<vmem>>[vector<16xi32>, vector<16xi32>], vector<16xf32>,
        %gather3A_687 = tpu.vector_load_idx %arg9[%add3A_682, %broadcast_in_dim3A_4] : memref<4096x4xf32, #tpu.memory_space<vmem>>[vector<16xi32>, vector<16xi32>], vector<16xf32>,
        %gather3A_688 = tpu.vector_load_idx %arg9[%add3A_682, %broadcast_in_dim3A_6] : memref<4096x4xf32, #tpu.memory_space<vmem>>[vector<16xi32>, vector<16xi32>], vector<16xf32>,
        %gather3A_689 = tpu.vector_load_idx %arg9[%add3A_682, %broadcast_in_dim3A_8] : memref<4096x4xf32, #tpu.memory_space<vmem>>[vector<16xi32>, vector<16xi32>], vector<16xf32>,
        %gather3A_690 = tpu.vector_load_idx %arg9[%add3A_682, %broadcast_in_dim3A_10] : memref<4096x4xf32, #tpu.memory_space<vmem>>[vector<16xi32>, vector<16xi32>], vector<16xf32>,
        %sub3A_691 = arith.subf %gather3A_683, %gather3A_687 : vector<16xf32>
        %sub3A_692 = arith.subf %gather3A_684, %gather3A_688 : vector<16xf32>
        %sub3A_693 = arith.subf %gather3A_685, %gather3A_689 : vector<16xf32>
        %sub3A_694 = arith.subf %gather3A_686, %gather3A_690 : vector<16xf32>
        %mul3A_695 = arith.mulf %sub3A_691, %sub3A_691 : vector<16xf32>
        %mul3A_696 = arith.mulf %sub3A_692, %sub3A_692 : vector<16xf32>
        %add3A_697 = arith.addf %mul3A_695, %mul3A_696 : vector<16xf32>
        %mul3A_698 = arith.mulf %sub3A_693, %sub3A_693 : vector<16xf32>
        %add3A_699 = arith.addf %add3A_697, %mul3A_698 : vector<16xf32>
        %eq3A_700 = arith.constant 0.000000e+00 : f32
        %eq3A_701 = vector.broadcast %eq3A_700 : f32 to vector<16xf32>
        %eq3A_702 = arith.cmpf oeq, %add3A_699, %eq3A_701 : vector<16xf32>
        %div3A_703 = arith.constant 1.000000e+00 : f32
        %div3A_704 = vector.broadcast %div3A_703 : f32 to vector<16xf32>
        %div3A_705 = arith.divf %div3A_704, %add3A_699 : vector<16xf32>
        %jit3A_706 = arith.constant 1.000000e+00 : f32
        %broadcast_in_dim3A_707 = vector.broadcast %jit3A_706 : f32 to vector<16xf32>
        %select_n3A_708 = arith.select %eq3A_702, %broadcast_in_dim3A_707, %div3A_705 : vector<16xi1>, vector<16xf32>
        %mul3A_709 = arith.mulf %select_n3A_708, %sub3A_691 : vector<16xf32>
        %mul3A_710 = arith.mulf %select_n3A_708, %sub3A_692 : vector<16xf32>
        %mul3A_711 = arith.mulf %select_n3A_708, %sub3A_693 : vector<16xf32>
        %mul3A_712 = arith.mulf %mul3A_709, %sub3A_691 : vector<16xf32>
        %add3A_713 = arith.addf %add3A_659, %mul3A_712 : vector<16xf32>
        %mul3A_714 = arith.mulf %mul3A_709, %sub3A_692 : vector<16xf32>
        %add3A_715 = arith.addf %add3A_661, %mul3A_714 : vector<16xf32>
        %mul3A_716 = arith.mulf %mul3A_709, %sub3A_693 : vector<16xf32>
        %add3A_717 = arith.addf %add3A_663, %mul3A_716 : vector<16xf32>
        %mul3A_718 = arith.mulf %mul3A_709, %sub3A_694 : vector<16xf32>
        %add3A_719 = arith.addf %add3A_665, %mul3A_718 : vector<16xf32>
        %mul3A_720 = arith.mulf %mul3A_710, %sub3A_692 : vector<16xf32>
        %add3A_721 = arith.addf %add3A_667, %mul3A_720 : vector<16xf32>
        %mul3A_722 = arith.mulf %mul3A_710, %sub3A_693 : vector<16xf32>
        %add3A_723 = arith.addf %add3A_669, %mul3A_722 : vector<16xf32>
        %mul3A_724 = arith.mulf %mul3A_710, %sub3A_694 : vector<16xf32>
        %add3A_725 = arith.addf %add3A_671, %mul3A_724 : vector<16xf32>
        %mul3A_726 = arith.mulf %mul3A_711, %sub3A_693 : vector<16xf32>
        %add3A_727 = arith.addf %add3A_673, %mul3A_726 : vector<16xf32>
        %mul3A_728 = arith.mulf %mul3A_711, %sub3A_694 : vector<16xf32>
        %add3A_729 = arith.addf %add3A_675, %mul3A_728 : vector<16xf32>
        %add3A_730 = arith.constant 14 : i32
        %add3A_731 = arith.addi %mul3A_355, %add3A_730 : i32
        %add3A_732 = vector.broadcast %add3A_731 : i32 to vector<16xi32>
        %add3A_733 = arith.addi %mul3A_3, %add3A_732 : vector<16xi32>
        %add3A_734 = arith.constant 1 : i32
        %add3A_735 = vector.broadcast %add3A_734 : i32 to vector<16xi32>
        %add3A_736 = arith.addi %add3A_733, %add3A_735 : vector<16xi32>
        %gather3A_737 = tpu.vector_load_idx %arg9[%add3A_733, %broadcast_in_dim3A_4] : memref<4096x4xf32, #tpu.memory_space<vmem>>[vector<16xi32>, vector<16xi32>], vector<16xf32>,
        %gather3A_738 = tpu.vector_load_idx %arg9[%add3A_733, %broadcast_in_dim3A_6] : memref<4096x4xf32, #tpu.memory_space<vmem>>[vector<16xi32>, vector<16xi32>], vector<16xf32>,
        %gather3A_739 = tpu.vector_load_idx %arg9[%add3A_733, %broadcast_in_dim3A_8] : memref<4096x4xf32, #tpu.memory_space<vmem>>[vector<16xi32>, vector<16xi32>], vector<16xf32>,
        %gather3A_740 = tpu.vector_load_idx %arg9[%add3A_733, %broadcast_in_dim3A_10] : memref<4096x4xf32, #tpu.memory_space<vmem>>[vector<16xi32>, vector<16xi32>], vector<16xf32>,
        %gather3A_741 = tpu.vector_load_idx %arg9[%add3A_736, %broadcast_in_dim3A_4] : memref<4096x4xf32, #tpu.memory_space<vmem>>[vector<16xi32>, vector<16xi32>], vector<16xf32>,
        %gather3A_742 = tpu.vector_load_idx %arg9[%add3A_736, %broadcast_in_dim3A_6] : memref<4096x4xf32, #tpu.memory_space<vmem>>[vector<16xi32>, vector<16xi32>], vector<16xf32>,
        %gather3A_743 = tpu.vector_load_idx %arg9[%add3A_736, %broadcast_in_dim3A_8] : memref<4096x4xf32, #tpu.memory_space<vmem>>[vector<16xi32>, vector<16xi32>], vector<16xf32>,
        %gather3A_744 = tpu.vector_load_idx %arg9[%add3A_736, %broadcast_in_dim3A_10] : memref<4096x4xf32, #tpu.memory_space<vmem>>[vector<16xi32>, vector<16xi32>], vector<16xf32>,
        %sub3A_745 = arith.subf %gather3A_737, %gather3A_741 : vector<16xf32>
        %sub3A_746 = arith.subf %gather3A_738, %gather3A_742 : vector<16xf32>
        %sub3A_747 = arith.subf %gather3A_739, %gather3A_743 : vector<16xf32>
        %sub3A_748 = arith.subf %gather3A_740, %gather3A_744 : vector<16xf32>
        %mul3A_749 = arith.mulf %sub3A_745, %sub3A_745 : vector<16xf32>
        %mul3A_750 = arith.mulf %sub3A_746, %sub3A_746 : vector<16xf32>
        %add3A_751 = arith.addf %mul3A_749, %mul3A_750 : vector<16xf32>
        %mul3A_752 = arith.mulf %sub3A_747, %sub3A_747 : vector<16xf32>
        %add3A_753 = arith.addf %add3A_751, %mul3A_752 : vector<16xf32>
        %eq3A_754 = arith.constant 0.000000e+00 : f32
        %eq3A_755 = vector.broadcast %eq3A_754 : f32 to vector<16xf32>
        %eq3A_756 = arith.cmpf oeq, %add3A_753, %eq3A_755 : vector<16xf32>
        %div3A_757 = arith.constant 1.000000e+00 : f32
        %div3A_758 = vector.broadcast %div3A_757 : f32 to vector<16xf32>
        %div3A_759 = arith.divf %div3A_758, %add3A_753 : vector<16xf32>
        %jit3A_760 = arith.constant 1.000000e+00 : f32
        %broadcast_in_dim3A_761 = vector.broadcast %jit3A_760 : f32 to vector<16xf32>
        %select_n3A_762 = arith.select %eq3A_756, %broadcast_in_dim3A_761, %div3A_759 : vector<16xi1>, vector<16xf32>
        %mul3A_763 = arith.mulf %select_n3A_762, %sub3A_745 : vector<16xf32>
        %mul3A_764 = arith.mulf %select_n3A_762, %sub3A_746 : vector<16xf32>
        %mul3A_765 = arith.mulf %select_n3A_762, %sub3A_747 : vector<16xf32>
        %mul3A_766 = arith.mulf %mul3A_763, %sub3A_745 : vector<16xf32>
        %add3A_767 = arith.addf %add3A_713, %mul3A_766 : vector<16xf32>
        %mul3A_768 = arith.mulf %mul3A_763, %sub3A_746 : vector<16xf32>
        %add3A_769 = arith.addf %add3A_715, %mul3A_768 : vector<16xf32>
        %mul3A_770 = arith.mulf %mul3A_763, %sub3A_747 : vector<16xf32>
        %add3A_771 = arith.addf %add3A_717, %mul3A_770 : vector<16xf32>
        %mul3A_772 = arith.mulf %mul3A_763, %sub3A_748 : vector<16xf32>
        %add3A_773 = arith.addf %add3A_719, %mul3A_772 : vector<16xf32>
        %mul3A_774 = arith.mulf %mul3A_764, %sub3A_746 : vector<16xf32>
        %add3A_775 = arith.addf %add3A_721, %mul3A_774 : vector<16xf32>
        %mul3A_776 = arith.mulf %mul3A_764, %sub3A_747 : vector<16xf32>
        %add3A_777 = arith.addf %add3A_723, %mul3A_776 : vector<16xf32>
        %mul3A_778 = arith.mulf %mul3A_764, %sub3A_748 : vector<16xf32>
        %add3A_779 = arith.addf %add3A_725, %mul3A_778 : vector<16xf32>
        %mul3A_780 = arith.mulf %mul3A_765, %sub3A_747 : vector<16xf32>
        %add3A_781 = arith.addf %add3A_727, %mul3A_780 : vector<16xf32>
        %mul3A_782 = arith.mulf %mul3A_765, %sub3A_748 : vector<16xf32>
        %add3A_783 = arith.addf %add3A_729, %mul3A_782 : vector<16xf32>
        %add3A_784 = arith.constant 16 : i32
        %add3A_785 = arith.addi %mul3A_355, %add3A_784 : i32
        %add3A_786 = vector.broadcast %add3A_785 : i32 to vector<16xi32>
        %add3A_787 = arith.addi %mul3A_3, %add3A_786 : vector<16xi32>
        %add3A_788 = arith.constant 1 : i32
        %add3A_789 = vector.broadcast %add3A_788 : i32 to vector<16xi32>
        %add3A_790 = arith.addi %add3A_787, %add3A_789 : vector<16xi32>
        %gather3A_791 = tpu.vector_load_idx %arg9[%add3A_787, %broadcast_in_dim3A_4] : memref<4096x4xf32, #tpu.memory_space<vmem>>[vector<16xi32>, vector<16xi32>], vector<16xf32>,
        %gather3A_792 = tpu.vector_load_idx %arg9[%add3A_787, %broadcast_in_dim3A_6] : memref<4096x4xf32, #tpu.memory_space<vmem>>[vector<16xi32>, vector<16xi32>], vector<16xf32>,
        %gather3A_793 = tpu.vector_load_idx %arg9[%add3A_787, %broadcast_in_dim3A_8] : memref<4096x4xf32, #tpu.memory_space<vmem>>[vector<16xi32>, vector<16xi32>], vector<16xf32>,
        %gather3A_794 = tpu.vector_load_idx %arg9[%add3A_787, %broadcast_in_dim3A_10] : memref<4096x4xf32, #tpu.memory_space<vmem>>[vector<16xi32>, vector<16xi32>], vector<16xf32>,
        %gather3A_795 = tpu.vector_load_idx %arg9[%add3A_790, %broadcast_in_dim3A_4] : memref<4096x4xf32, #tpu.memory_space<vmem>>[vector<16xi32>, vector<16xi32>], vector<16xf32>,
        %gather3A_796 = tpu.vector_load_idx %arg9[%add3A_790, %broadcast_in_dim3A_6] : memref<4096x4xf32, #tpu.memory_space<vmem>>[vector<16xi32>, vector<16xi32>], vector<16xf32>,
        %gather3A_797 = tpu.vector_load_idx %arg9[%add3A_790, %broadcast_in_dim3A_8] : memref<4096x4xf32, #tpu.memory_space<vmem>>[vector<16xi32>, vector<16xi32>], vector<16xf32>,
        %gather3A_798 = tpu.vector_load_idx %arg9[%add3A_790, %broadcast_in_dim3A_10] : memref<4096x4xf32, #tpu.memory_space<vmem>>[vector<16xi32>, vector<16xi32>], vector<16xf32>,
        %sub3A_799 = arith.subf %gather3A_791, %gather3A_795 : vector<16xf32>
        %sub3A_800 = arith.subf %gather3A_792, %gather3A_796 : vector<16xf32>
        %sub3A_801 = arith.subf %gather3A_793, %gather3A_797 : vector<16xf32>
        %sub3A_802 = arith.subf %gather3A_794, %gather3A_798 : vector<16xf32>
        %mul3A_803 = arith.mulf %sub3A_799, %sub3A_799 : vector<16xf32>
        %mul3A_804 = arith.mulf %sub3A_800, %sub3A_800 : vector<16xf32>
        %add3A_805 = arith.addf %mul3A_803, %mul3A_804 : vector<16xf32>
        %mul3A_806 = arith.mulf %sub3A_801, %sub3A_801 : vector<16xf32>
        %add3A_807 = arith.addf %add3A_805, %mul3A_806 : vector<16xf32>
        %eq3A_808 = arith.constant 0.000000e+00 : f32
        %eq3A_809 = vector.broadcast %eq3A_808 : f32 to vector<16xf32>
        %eq3A_810 = arith.cmpf oeq, %add3A_807, %eq3A_809 : vector<16xf32>
        %div3A_811 = arith.constant 1.000000e+00 : f32
        %div3A_812 = vector.broadcast %div3A_811 : f32 to vector<16xf32>
        %div3A_813 = arith.divf %div3A_812, %add3A_807 : vector<16xf32>
        %jit3A_814 = arith.constant 1.000000e+00 : f32
        %broadcast_in_dim3A_815 = vector.broadcast %jit3A_814 : f32 to vector<16xf32>
        %select_n3A_816 = arith.select %eq3A_810, %broadcast_in_dim3A_815, %div3A_813 : vector<16xi1>, vector<16xf32>
        %mul3A_817 = arith.mulf %select_n3A_816, %sub3A_799 : vector<16xf32>
        %mul3A_818 = arith.mulf %select_n3A_816, %sub3A_800 : vector<16xf32>
        %mul3A_819 = arith.mulf %select_n3A_816, %sub3A_801 : vector<16xf32>
        %mul3A_820 = arith.mulf %mul3A_817, %sub3A_799 : vector<16xf32>
        %add3A_821 = arith.addf %add3A_767, %mul3A_820 : vector<16xf32>
        %mul3A_822 = arith.mulf %mul3A_817, %sub3A_800 : vector<16xf32>
        %add3A_823 = arith.addf %add3A_769, %mul3A_822 : vector<16xf32>
        %mul3A_824 = arith.mulf %mul3A_817, %sub3A_801 : vector<16xf32>
        %add3A_825 = arith.addf %add3A_771, %mul3A_824 : vector<16xf32>
        %mul3A_826 = arith.mulf %mul3A_817, %sub3A_802 : vector<16xf32>
        %add3A_827 = arith.addf %add3A_773, %mul3A_826 : vector<16xf32>
        %mul3A_828 = arith.mulf %mul3A_818, %sub3A_800 : vector<16xf32>
        %add3A_829 = arith.addf %add3A_775, %mul3A_828 : vector<16xf32>
        %mul3A_830 = arith.mulf %mul3A_818, %sub3A_801 : vector<16xf32>
        %add3A_831 = arith.addf %add3A_777, %mul3A_830 : vector<16xf32>
        %mul3A_832 = arith.mulf %mul3A_818, %sub3A_802 : vector<16xf32>
        %add3A_833 = arith.addf %add3A_779, %mul3A_832 : vector<16xf32>
        %mul3A_834 = arith.mulf %mul3A_819, %sub3A_801 : vector<16xf32>
        %add3A_835 = arith.addf %add3A_781, %mul3A_834 : vector<16xf32>
        %mul3A_836 = arith.mulf %mul3A_819, %sub3A_802 : vector<16xf32>
        %add3A_837 = arith.addf %add3A_783, %mul3A_836 : vector<16xf32>
        %add3A_838 = arith.constant 18 : i32
        %add3A_839 = arith.addi %mul3A_355, %add3A_838 : i32
        %add3A_840 = vector.broadcast %add3A_839 : i32 to vector<16xi32>
        %add3A_841 = arith.addi %mul3A_3, %add3A_840 : vector<16xi32>
        %add3A_842 = arith.constant 1 : i32
        %add3A_843 = vector.broadcast %add3A_842 : i32 to vector<16xi32>
        %add3A_844 = arith.addi %add3A_841, %add3A_843 : vector<16xi32>
        %gather3A_845 = tpu.vector_load_idx %arg9[%add3A_841, %broadcast_in_dim3A_4] : memref<4096x4xf32, #tpu.memory_space<vmem>>[vector<16xi32>, vector<16xi32>], vector<16xf32>,
        %gather3A_846 = tpu.vector_load_idx %arg9[%add3A_841, %broadcast_in_dim3A_6] : memref<4096x4xf32, #tpu.memory_space<vmem>>[vector<16xi32>, vector<16xi32>], vector<16xf32>,
        %gather3A_847 = tpu.vector_load_idx %arg9[%add3A_841, %broadcast_in_dim3A_8] : memref<4096x4xf32, #tpu.memory_space<vmem>>[vector<16xi32>, vector<16xi32>], vector<16xf32>,
        %gather3A_848 = tpu.vector_load_idx %arg9[%add3A_841, %broadcast_in_dim3A_10] : memref<4096x4xf32, #tpu.memory_space<vmem>>[vector<16xi32>, vector<16xi32>], vector<16xf32>,
        %gather3A_849 = tpu.vector_load_idx %arg9[%add3A_844, %broadcast_in_dim3A_4] : memref<4096x4xf32, #tpu.memory_space<vmem>>[vector<16xi32>, vector<16xi32>], vector<16xf32>,
        %gather3A_850 = tpu.vector_load_idx %arg9[%add3A_844, %broadcast_in_dim3A_6] : memref<4096x4xf32, #tpu.memory_space<vmem>>[vector<16xi32>, vector<16xi32>], vector<16xf32>,
        %gather3A_851 = tpu.vector_load_idx %arg9[%add3A_844, %broadcast_in_dim3A_8] : memref<4096x4xf32, #tpu.memory_space<vmem>>[vector<16xi32>, vector<16xi32>], vector<16xf32>,
        %gather3A_852 = tpu.vector_load_idx %arg9[%add3A_844, %broadcast_in_dim3A_10] : memref<4096x4xf32, #tpu.memory_space<vmem>>[vector<16xi32>, vector<16xi32>], vector<16xf32>,
        %sub3A_853 = arith.subf %gather3A_845, %gather3A_849 : vector<16xf32>
        %sub3A_854 = arith.subf %gather3A_846, %gather3A_850 : vector<16xf32>
        %sub3A_855 = arith.subf %gather3A_847, %gather3A_851 : vector<16xf32>
        %sub3A_856 = arith.subf %gather3A_848, %gather3A_852 : vector<16xf32>
        %mul3A_857 = arith.mulf %sub3A_853, %sub3A_853 : vector<16xf32>
        %mul3A_858 = arith.mulf %sub3A_854, %sub3A_854 : vector<16xf32>
        %add3A_859 = arith.addf %mul3A_857, %mul3A_858 : vector<16xf32>
        %mul3A_860 = arith.mulf %sub3A_855, %sub3A_855 : vector<16xf32>
        %add3A_861 = arith.addf %add3A_859, %mul3A_860 : vector<16xf32>
        %eq3A_862 = arith.constant 0.000000e+00 : f32
        %eq3A_863 = vector.broadcast %eq3A_862 : f32 to vector<16xf32>
        %eq3A_864 = arith.cmpf oeq, %add3A_861, %eq3A_863 : vector<16xf32>
        %div3A_865 = arith.constant 1.000000e+00 : f32
        %div3A_866 = vector.broadcast %div3A_865 : f32 to vector<16xf32>
        %div3A_867 = arith.divf %div3A_866, %add3A_861 : vector<16xf32>
        %jit3A_868 = arith.constant 1.000000e+00 : f32
        %broadcast_in_dim3A_869 = vector.broadcast %jit3A_868 : f32 to vector<16xf32>
        %select_n3A_870 = arith.select %eq3A_864, %broadcast_in_dim3A_869, %div3A_867 : vector<16xi1>, vector<16xf32>
        %mul3A_871 = arith.mulf %select_n3A_870, %sub3A_853 : vector<16xf32>
        %mul3A_872 = arith.mulf %select_n3A_870, %sub3A_854 : vector<16xf32>
        %mul3A_873 = arith.mulf %select_n3A_870, %sub3A_855 : vector<16xf32>
        %mul3A_874 = arith.mulf %mul3A_871, %sub3A_853 : vector<16xf32>
        %add3A_875 = arith.addf %add3A_821, %mul3A_874 : vector<16xf32>
        %mul3A_876 = arith.mulf %mul3A_871, %sub3A_854 : vector<16xf32>
        %add3A_877 = arith.addf %add3A_823, %mul3A_876 : vector<16xf32>
        %mul3A_878 = arith.mulf %mul3A_871, %sub3A_855 : vector<16xf32>
        %add3A_879 = arith.addf %add3A_825, %mul3A_878 : vector<16xf32>
        %mul3A_880 = arith.mulf %mul3A_871, %sub3A_856 : vector<16xf32>
        %add3A_881 = arith.addf %add3A_827, %mul3A_880 : vector<16xf32>
        %mul3A_882 = arith.mulf %mul3A_872, %sub3A_854 : vector<16xf32>
        %add3A_883 = arith.addf %add3A_829, %mul3A_882 : vector<16xf32>
        %mul3A_884 = arith.mulf %mul3A_872, %sub3A_855 : vector<16xf32>
        %add3A_885 = arith.addf %add3A_831, %mul3A_884 : vector<16xf32>
        %mul3A_886 = arith.mulf %mul3A_872, %sub3A_856 : vector<16xf32>
        %add3A_887 = arith.addf %add3A_833, %mul3A_886 : vector<16xf32>
        %mul3A_888 = arith.mulf %mul3A_873, %sub3A_855 : vector<16xf32>
        %add3A_889 = arith.addf %add3A_835, %mul3A_888 : vector<16xf32>
        %mul3A_890 = arith.mulf %mul3A_873, %sub3A_856 : vector<16xf32>
        %add3A_891 = arith.addf %add3A_837, %mul3A_890 : vector<16xf32>
        %add3A_892 = arith.constant 20 : i32
        %add3A_893 = arith.addi %mul3A_355, %add3A_892 : i32
        %add3A_894 = vector.broadcast %add3A_893 : i32 to vector<16xi32>
        %add3A_895 = arith.addi %mul3A_3, %add3A_894 : vector<16xi32>
        %add3A_896 = arith.constant 1 : i32
        %add3A_897 = vector.broadcast %add3A_896 : i32 to vector<16xi32>
        %add3A_898 = arith.addi %add3A_895, %add3A_897 : vector<16xi32>
        %gather3A_899 = tpu.vector_load_idx %arg9[%add3A_895, %broadcast_in_dim3A_4] : memref<4096x4xf32, #tpu.memory_space<vmem>>[vector<16xi32>, vector<16xi32>], vector<16xf32>,
        %gather3A_900 = tpu.vector_load_idx %arg9[%add3A_895, %broadcast_in_dim3A_6] : memref<4096x4xf32, #tpu.memory_space<vmem>>[vector<16xi32>, vector<16xi32>], vector<16xf32>,
        %gather3A_901 = tpu.vector_load_idx %arg9[%add3A_895, %broadcast_in_dim3A_8] : memref<4096x4xf32, #tpu.memory_space<vmem>>[vector<16xi32>, vector<16xi32>], vector<16xf32>,
        %gather3A_902 = tpu.vector_load_idx %arg9[%add3A_895, %broadcast_in_dim3A_10] : memref<4096x4xf32, #tpu.memory_space<vmem>>[vector<16xi32>, vector<16xi32>], vector<16xf32>,
        %gather3A_903 = tpu.vector_load_idx %arg9[%add3A_898, %broadcast_in_dim3A_4] : memref<4096x4xf32, #tpu.memory_space<vmem>>[vector<16xi32>, vector<16xi32>], vector<16xf32>,
        %gather3A_904 = tpu.vector_load_idx %arg9[%add3A_898, %broadcast_in_dim3A_6] : memref<4096x4xf32, #tpu.memory_space<vmem>>[vector<16xi32>, vector<16xi32>], vector<16xf32>,
        %gather3A_905 = tpu.vector_load_idx %arg9[%add3A_898, %broadcast_in_dim3A_8] : memref<4096x4xf32, #tpu.memory_space<vmem>>[vector<16xi32>, vector<16xi32>], vector<16xf32>,
        %gather3A_906 = tpu.vector_load_idx %arg9[%add3A_898, %broadcast_in_dim3A_10] : memref<4096x4xf32, #tpu.memory_space<vmem>>[vector<16xi32>, vector<16xi32>], vector<16xf32>,
        %sub3A_907 = arith.subf %gather3A_899, %gather3A_903 : vector<16xf32>
        %sub3A_908 = arith.subf %gather3A_900, %gather3A_904 : vector<16xf32>
        %sub3A_909 = arith.subf %gather3A_901, %gather3A_905 : vector<16xf32>
        %sub3A_910 = arith.subf %gather3A_902, %gather3A_906 : vector<16xf32>
        %mul3A_911 = arith.mulf %sub3A_907, %sub3A_907 : vector<16xf32>
        %mul3A_912 = arith.mulf %sub3A_908, %sub3A_908 : vector<16xf32>
        %add3A_913 = arith.addf %mul3A_911, %mul3A_912 : vector<16xf32>
        %mul3A_914 = arith.mulf %sub3A_909, %sub3A_909 : vector<16xf32>
        %add3A_915 = arith.addf %add3A_913, %mul3A_914 : vector<16xf32>
        %eq3A_916 = arith.constant 0.000000e+00 : f32
        %eq3A_917 = vector.broadcast %eq3A_916 : f32 to vector<16xf32>
        %eq3A_918 = arith.cmpf oeq, %add3A_915, %eq3A_917 : vector<16xf32>
        %div3A_919 = arith.constant 1.000000e+00 : f32
        %div3A_920 = vector.broadcast %div3A_919 : f32 to vector<16xf32>
        %div3A_921 = arith.divf %div3A_920, %add3A_915 : vector<16xf32>
        %jit3A_922 = arith.constant 1.000000e+00 : f32
        %broadcast_in_dim3A_923 = vector.broadcast %jit3A_922 : f32 to vector<16xf32>
        %select_n3A_924 = arith.select %eq3A_918, %broadcast_in_dim3A_923, %div3A_921 : vector<16xi1>, vector<16xf32>
        %mul3A_925 = arith.mulf %select_n3A_924, %sub3A_907 : vector<16xf32>
        %mul3A_926 = arith.mulf %select_n3A_924, %sub3A_908 : vector<16xf32>
        %mul3A_927 = arith.mulf %select_n3A_924, %sub3A_909 : vector<16xf32>
        %mul3A_928 = arith.mulf %mul3A_925, %sub3A_907 : vector<16xf32>
        %add3A_929 = arith.addf %add3A_875, %mul3A_928 : vector<16xf32>
        %mul3A_930 = arith.mulf %mul3A_925, %sub3A_908 : vector<16xf32>
        %add3A_931 = arith.addf %add3A_877, %mul3A_930 : vector<16xf32>
        %mul3A_932 = arith.mulf %mul3A_925, %sub3A_909 : vector<16xf32>
        %add3A_933 = arith.addf %add3A_879, %mul3A_932 : vector<16xf32>
        %mul3A_934 = arith.mulf %mul3A_925, %sub3A_910 : vector<16xf32>
        %add3A_935 = arith.addf %add3A_881, %mul3A_934 : vector<16xf32>
        %mul3A_936 = arith.mulf %mul3A_926, %sub3A_908 : vector<16xf32>
        %add3A_937 = arith.addf %add3A_883, %mul3A_936 : vector<16xf32>
        %mul3A_938 = arith.mulf %mul3A_926, %sub3A_909 : vector<16xf32>
        %add3A_939 = arith.addf %add3A_885, %mul3A_938 : vector<16xf32>
        %mul3A_940 = arith.mulf %mul3A_926, %sub3A_910 : vector<16xf32>
        %add3A_941 = arith.addf %add3A_887, %mul3A_940 : vector<16xf32>
        %mul3A_942 = arith.mulf %mul3A_927, %sub3A_909 : vector<16xf32>
        %add3A_943 = arith.addf %add3A_889, %mul3A_942 : vector<16xf32>
        %mul3A_944 = arith.mulf %mul3A_927, %sub3A_910 : vector<16xf32>
        %add3A_945 = arith.addf %add3A_891, %mul3A_944 : vector<16xf32>
        %add3A_946 = arith.constant 22 : i32
        %add3A_947 = arith.addi %mul3A_355, %add3A_946 : i32
        %add3A_948 = vector.broadcast %add3A_947 : i32 to vector<16xi32>
        %add3A_949 = arith.addi %mul3A_3, %add3A_948 : vector<16xi32>
        %add3A_950 = arith.constant 1 : i32
        %add3A_951 = vector.broadcast %add3A_950 : i32 to vector<16xi32>
        %add3A_952 = arith.addi %add3A_949, %add3A_951 : vector<16xi32>
        %gather3A_953 = tpu.vector_load_idx %arg9[%add3A_949, %broadcast_in_dim3A_4] : memref<4096x4xf32, #tpu.memory_space<vmem>>[vector<16xi32>, vector<16xi32>], vector<16xf32>,
        %gather3A_954 = tpu.vector_load_idx %arg9[%add3A_949, %broadcast_in_dim3A_6] : memref<4096x4xf32, #tpu.memory_space<vmem>>[vector<16xi32>, vector<16xi32>], vector<16xf32>,
        %gather3A_955 = tpu.vector_load_idx %arg9[%add3A_949, %broadcast_in_dim3A_8] : memref<4096x4xf32, #tpu.memory_space<vmem>>[vector<16xi32>, vector<16xi32>], vector<16xf32>,
        %gather3A_956 = tpu.vector_load_idx %arg9[%add3A_949, %broadcast_in_dim3A_10] : memref<4096x4xf32, #tpu.memory_space<vmem>>[vector<16xi32>, vector<16xi32>], vector<16xf32>,
        %gather3A_957 = tpu.vector_load_idx %arg9[%add3A_952, %broadcast_in_dim3A_4] : memref<4096x4xf32, #tpu.memory_space<vmem>>[vector<16xi32>, vector<16xi32>], vector<16xf32>,
        %gather3A_958 = tpu.vector_load_idx %arg9[%add3A_952, %broadcast_in_dim3A_6] : memref<4096x4xf32, #tpu.memory_space<vmem>>[vector<16xi32>, vector<16xi32>], vector<16xf32>,
        %gather3A_959 = tpu.vector_load_idx %arg9[%add3A_952, %broadcast_in_dim3A_8] : memref<4096x4xf32, #tpu.memory_space<vmem>>[vector<16xi32>, vector<16xi32>], vector<16xf32>,
        %gather3A_960 = tpu.vector_load_idx %arg9[%add3A_952, %broadcast_in_dim3A_10] : memref<4096x4xf32, #tpu.memory_space<vmem>>[vector<16xi32>, vector<16xi32>], vector<16xf32>,
        %sub3A_961 = arith.subf %gather3A_953, %gather3A_957 : vector<16xf32>
        %sub3A_962 = arith.subf %gather3A_954, %gather3A_958 : vector<16xf32>
        %sub3A_963 = arith.subf %gather3A_955, %gather3A_959 : vector<16xf32>
        %sub3A_964 = arith.subf %gather3A_956, %gather3A_960 : vector<16xf32>
        %mul3A_965 = arith.mulf %sub3A_961, %sub3A_961 : vector<16xf32>
        %mul3A_966 = arith.mulf %sub3A_962, %sub3A_962 : vector<16xf32>
        %add3A_967 = arith.addf %mul3A_965, %mul3A_966 : vector<16xf32>
        %mul3A_968 = arith.mulf %sub3A_963, %sub3A_963 : vector<16xf32>
        %add3A_969 = arith.addf %add3A_967, %mul3A_968 : vector<16xf32>
        %eq3A_970 = arith.constant 0.000000e+00 : f32
        %eq3A_971 = vector.broadcast %eq3A_970 : f32 to vector<16xf32>
        %eq3A_972 = arith.cmpf oeq, %add3A_969, %eq3A_971 : vector<16xf32>
        %div3A_973 = arith.constant 1.000000e+00 : f32
        %div3A_974 = vector.broadcast %div3A_973 : f32 to vector<16xf32>
        %div3A_975 = arith.divf %div3A_974, %add3A_969 : vector<16xf32>
        %jit3A_976 = arith.constant 1.000000e+00 : f32
        %broadcast_in_dim3A_977 = vector.broadcast %jit3A_976 : f32 to vector<16xf32>
        %select_n3A_978 = arith.select %eq3A_972, %broadcast_in_dim3A_977, %div3A_975 : vector<16xi1>, vector<16xf32>
        %mul3A_979 = arith.mulf %select_n3A_978, %sub3A_961 : vector<16xf32>
        %mul3A_980 = arith.mulf %select_n3A_978, %sub3A_962 : vector<16xf32>
        %mul3A_981 = arith.mulf %select_n3A_978, %sub3A_963 : vector<16xf32>
        %mul3A_982 = arith.mulf %mul3A_979, %sub3A_961 : vector<16xf32>
        %add3A_983 = arith.addf %add3A_929, %mul3A_982 : vector<16xf32>
        %mul3A_984 = arith.mulf %mul3A_979, %sub3A_962 : vector<16xf32>
        %add3A_985 = arith.addf %add3A_931, %mul3A_984 : vector<16xf32>
        %mul3A_986 = arith.mulf %mul3A_979, %sub3A_963 : vector<16xf32>
        %add3A_987 = arith.addf %add3A_933, %mul3A_986 : vector<16xf32>
        %mul3A_988 = arith.mulf %mul3A_979, %sub3A_964 : vector<16xf32>
        %add3A_989 = arith.addf %add3A_935, %mul3A_988 : vector<16xf32>
        %mul3A_990 = arith.mulf %mul3A_980, %sub3A_962 : vector<16xf32>
        %add3A_991 = arith.addf %add3A_937, %mul3A_990 : vector<16xf32>
        %mul3A_992 = arith.mulf %mul3A_980, %sub3A_963 : vector<16xf32>
        %add3A_993 = arith.addf %add3A_939, %mul3A_992 : vector<16xf32>
        %mul3A_994 = arith.mulf %mul3A_980, %sub3A_964 : vector<16xf32>
        %add3A_995 = arith.addf %add3A_941, %mul3A_994 : vector<16xf32>
        %mul3A_996 = arith.mulf %mul3A_981, %sub3A_963 : vector<16xf32>
        %add3A_997 = arith.addf %add3A_943, %mul3A_996 : vector<16xf32>
        %mul3A_998 = arith.mulf %mul3A_981, %sub3A_964 : vector<16xf32>
        %add3A_999 = arith.addf %add3A_945, %mul3A_998 : vector<16xf32>
        %add3A_1000 = arith.constant 24 : i32
        %add3A_1001 = arith.addi %mul3A_355, %add3A_1000 : i32
        %add3A_1002 = vector.broadcast %add3A_1001 : i32 to vector<16xi32>
        %add3A_1003 = arith.addi %mul3A_3, %add3A_1002 : vector<16xi32>
        %add3A_1004 = arith.constant 1 : i32
        %add3A_1005 = vector.broadcast %add3A_1004 : i32 to vector<16xi32>
        %add3A_1006 = arith.addi %add3A_1003, %add3A_1005 : vector<16xi32>
        %gather3A_1007 = tpu.vector_load_idx %arg9[%add3A_1003, %broadcast_in_dim3A_4] : memref<4096x4xf32, #tpu.memory_space<vmem>>[vector<16xi32>, vector<16xi32>], vector<16xf32>,
        %gather3A_1008 = tpu.vector_load_idx %arg9[%add3A_1003, %broadcast_in_dim3A_6] : memref<4096x4xf32, #tpu.memory_space<vmem>>[vector<16xi32>, vector<16xi32>], vector<16xf32>,
        %gather3A_1009 = tpu.vector_load_idx %arg9[%add3A_1003, %broadcast_in_dim3A_8] : memref<4096x4xf32, #tpu.memory_space<vmem>>[vector<16xi32>, vector<16xi32>], vector<16xf32>,
        %gather3A_1010 = tpu.vector_load_idx %arg9[%add3A_1003, %broadcast_in_dim3A_10] : memref<4096x4xf32, #tpu.memory_space<vmem>>[vector<16xi32>, vector<16xi32>], vector<16xf32>,
        %gather3A_1011 = tpu.vector_load_idx %arg9[%add3A_1006, %broadcast_in_dim3A_4] : memref<4096x4xf32, #tpu.memory_space<vmem>>[vector<16xi32>, vector<16xi32>], vector<16xf32>,
        %gather3A_1012 = tpu.vector_load_idx %arg9[%add3A_1006, %broadcast_in_dim3A_6] : memref<4096x4xf32, #tpu.memory_space<vmem>>[vector<16xi32>, vector<16xi32>], vector<16xf32>,
        %gather3A_1013 = tpu.vector_load_idx %arg9[%add3A_1006, %broadcast_in_dim3A_8] : memref<4096x4xf32, #tpu.memory_space<vmem>>[vector<16xi32>, vector<16xi32>], vector<16xf32>,
        %gather3A_1014 = tpu.vector_load_idx %arg9[%add3A_1006, %broadcast_in_dim3A_10] : memref<4096x4xf32, #tpu.memory_space<vmem>>[vector<16xi32>, vector<16xi32>], vector<16xf32>,
        %sub3A_1015 = arith.subf %gather3A_1007, %gather3A_1011 : vector<16xf32>
        %sub3A_1016 = arith.subf %gather3A_1008, %gather3A_1012 : vector<16xf32>
        %sub3A_1017 = arith.subf %gather3A_1009, %gather3A_1013 : vector<16xf32>
        %sub3A_1018 = arith.subf %gather3A_1010, %gather3A_1014 : vector<16xf32>
        %mul3A_1019 = arith.mulf %sub3A_1015, %sub3A_1015 : vector<16xf32>
        %mul3A_1020 = arith.mulf %sub3A_1016, %sub3A_1016 : vector<16xf32>
        %add3A_1021 = arith.addf %mul3A_1019, %mul3A_1020 : vector<16xf32>
        %mul3A_1022 = arith.mulf %sub3A_1017, %sub3A_1017 : vector<16xf32>
        %add3A_1023 = arith.addf %add3A_1021, %mul3A_1022 : vector<16xf32>
        %eq3A_1024 = arith.constant 0.000000e+00 : f32
        %eq3A_1025 = vector.broadcast %eq3A_1024 : f32 to vector<16xf32>
        %eq3A_1026 = arith.cmpf oeq, %add3A_1023, %eq3A_1025 : vector<16xf32>
        %div3A_1027 = arith.constant 1.000000e+00 : f32
        %div3A_1028 = vector.broadcast %div3A_1027 : f32 to vector<16xf32>
        %div3A_1029 = arith.divf %div3A_1028, %add3A_1023 : vector<16xf32>
        %jit3A_1030 = arith.constant 1.000000e+00 : f32
        %broadcast_in_dim3A_1031 = vector.broadcast %jit3A_1030 : f32 to vector<16xf32>
        %select_n3A_1032 = arith.select %eq3A_1026, %broadcast_in_dim3A_1031, %div3A_1029 : vector<16xi1>, vector<16xf32>
        %mul3A_1033 = arith.mulf %select_n3A_1032, %sub3A_1015 : vector<16xf32>
        %mul3A_1034 = arith.mulf %select_n3A_1032, %sub3A_1016 : vector<16xf32>
        %mul3A_1035 = arith.mulf %select_n3A_1032, %sub3A_1017 : vector<16xf32>
        %mul3A_1036 = arith.mulf %mul3A_1033, %sub3A_1015 : vector<16xf32>
        %add3A_1037 = arith.addf %add3A_983, %mul3A_1036 : vector<16xf32>
        %mul3A_1038 = arith.mulf %mul3A_1033, %sub3A_1016 : vector<16xf32>
        %add3A_1039 = arith.addf %add3A_985, %mul3A_1038 : vector<16xf32>
        %mul3A_1040 = arith.mulf %mul3A_1033, %sub3A_1017 : vector<16xf32>
        %add3A_1041 = arith.addf %add3A_987, %mul3A_1040 : vector<16xf32>
        %mul3A_1042 = arith.mulf %mul3A_1033, %sub3A_1018 : vector<16xf32>
        %add3A_1043 = arith.addf %add3A_989, %mul3A_1042 : vector<16xf32>
        %mul3A_1044 = arith.mulf %mul3A_1034, %sub3A_1016 : vector<16xf32>
        %add3A_1045 = arith.addf %add3A_991, %mul3A_1044 : vector<16xf32>
        %mul3A_1046 = arith.mulf %mul3A_1034, %sub3A_1017 : vector<16xf32>
        %add3A_1047 = arith.addf %add3A_993, %mul3A_1046 : vector<16xf32>
        %mul3A_1048 = arith.mulf %mul3A_1034, %sub3A_1018 : vector<16xf32>
        %add3A_1049 = arith.addf %add3A_995, %mul3A_1048 : vector<16xf32>
        %mul3A_1050 = arith.mulf %mul3A_1035, %sub3A_1017 : vector<16xf32>
        %add3A_1051 = arith.addf %add3A_997, %mul3A_1050 : vector<16xf32>
        %mul3A_1052 = arith.mulf %mul3A_1035, %sub3A_1018 : vector<16xf32>
        %add3A_1053 = arith.addf %add3A_999, %mul3A_1052 : vector<16xf32>
        %add3A_1054 = arith.constant 26 : i32
        %add3A_1055 = arith.addi %mul3A_355, %add3A_1054 : i32
        %add3A_1056 = vector.broadcast %add3A_1055 : i32 to vector<16xi32>
        %add3A_1057 = arith.addi %mul3A_3, %add3A_1056 : vector<16xi32>
        %add3A_1058 = arith.constant 1 : i32
        %add3A_1059 = vector.broadcast %add3A_1058 : i32 to vector<16xi32>
        %add3A_1060 = arith.addi %add3A_1057, %add3A_1059 : vector<16xi32>
        %gather3A_1061 = tpu.vector_load_idx %arg9[%add3A_1057, %broadcast_in_dim3A_4] : memref<4096x4xf32, #tpu.memory_space<vmem>>[vector<16xi32>, vector<16xi32>], vector<16xf32>,
        %gather3A_1062 = tpu.vector_load_idx %arg9[%add3A_1057, %broadcast_in_dim3A_6] : memref<4096x4xf32, #tpu.memory_space<vmem>>[vector<16xi32>, vector<16xi32>], vector<16xf32>,
        %gather3A_1063 = tpu.vector_load_idx %arg9[%add3A_1057, %broadcast_in_dim3A_8] : memref<4096x4xf32, #tpu.memory_space<vmem>>[vector<16xi32>, vector<16xi32>], vector<16xf32>,
        %gather3A_1064 = tpu.vector_load_idx %arg9[%add3A_1057, %broadcast_in_dim3A_10] : memref<4096x4xf32, #tpu.memory_space<vmem>>[vector<16xi32>, vector<16xi32>], vector<16xf32>,
        %gather3A_1065 = tpu.vector_load_idx %arg9[%add3A_1060, %broadcast_in_dim3A_4] : memref<4096x4xf32, #tpu.memory_space<vmem>>[vector<16xi32>, vector<16xi32>], vector<16xf32>,
        %gather3A_1066 = tpu.vector_load_idx %arg9[%add3A_1060, %broadcast_in_dim3A_6] : memref<4096x4xf32, #tpu.memory_space<vmem>>[vector<16xi32>, vector<16xi32>], vector<16xf32>,
        %gather3A_1067 = tpu.vector_load_idx %arg9[%add3A_1060, %broadcast_in_dim3A_8] : memref<4096x4xf32, #tpu.memory_space<vmem>>[vector<16xi32>, vector<16xi32>], vector<16xf32>,
        %gather3A_1068 = tpu.vector_load_idx %arg9[%add3A_1060, %broadcast_in_dim3A_10] : memref<4096x4xf32, #tpu.memory_space<vmem>>[vector<16xi32>, vector<16xi32>], vector<16xf32>,
        %sub3A_1069 = arith.subf %gather3A_1061, %gather3A_1065 : vector<16xf32>
        %sub3A_1070 = arith.subf %gather3A_1062, %gather3A_1066 : vector<16xf32>
        %sub3A_1071 = arith.subf %gather3A_1063, %gather3A_1067 : vector<16xf32>
        %sub3A_1072 = arith.subf %gather3A_1064, %gather3A_1068 : vector<16xf32>
        %mul3A_1073 = arith.mulf %sub3A_1069, %sub3A_1069 : vector<16xf32>
        %mul3A_1074 = arith.mulf %sub3A_1070, %sub3A_1070 : vector<16xf32>
        %add3A_1075 = arith.addf %mul3A_1073, %mul3A_1074 : vector<16xf32>
        %mul3A_1076 = arith.mulf %sub3A_1071, %sub3A_1071 : vector<16xf32>
        %add3A_1077 = arith.addf %add3A_1075, %mul3A_1076 : vector<16xf32>
        %eq3A_1078 = arith.constant 0.000000e+00 : f32
        %eq3A_1079 = vector.broadcast %eq3A_1078 : f32 to vector<16xf32>
        %eq3A_1080 = arith.cmpf oeq, %add3A_1077, %eq3A_1079 : vector<16xf32>
        %div3A_1081 = arith.constant 1.000000e+00 : f32
        %div3A_1082 = vector.broadcast %div3A_1081 : f32 to vector<16xf32>
        %div3A_1083 = arith.divf %div3A_1082, %add3A_1077 : vector<16xf32>
        %jit3A_1084 = arith.constant 1.000000e+00 : f32
        %broadcast_in_dim3A_1085 = vector.broadcast %jit3A_1084 : f32 to vector<16xf32>
        %select_n3A_1086 = arith.select %eq3A_1080, %broadcast_in_dim3A_1085, %div3A_1083 : vector<16xi1>, vector<16xf32>
        %mul3A_1087 = arith.mulf %select_n3A_1086, %sub3A_1069 : vector<16xf32>
        %mul3A_1088 = arith.mulf %select_n3A_1086, %sub3A_1070 : vector<16xf32>
        %mul3A_1089 = arith.mulf %select_n3A_1086, %sub3A_1071 : vector<16xf32>
        %mul3A_1090 = arith.mulf %mul3A_1087, %sub3A_1069 : vector<16xf32>
        %add3A_1091 = arith.addf %add3A_1037, %mul3A_1090 : vector<16xf32>
        %mul3A_1092 = arith.mulf %mul3A_1087, %sub3A_1070 : vector<16xf32>
        %add3A_1093 = arith.addf %add3A_1039, %mul3A_1092 : vector<16xf32>
        %mul3A_1094 = arith.mulf %mul3A_1087, %sub3A_1071 : vector<16xf32>
        %add3A_1095 = arith.addf %add3A_1041, %mul3A_1094 : vector<16xf32>
        %mul3A_1096 = arith.mulf %mul3A_1087, %sub3A_1072 : vector<16xf32>
        %add3A_1097 = arith.addf %add3A_1043, %mul3A_1096 : vector<16xf32>
        %mul3A_1098 = arith.mulf %mul3A_1088, %sub3A_1070 : vector<16xf32>
        %add3A_1099 = arith.addf %add3A_1045, %mul3A_1098 : vector<16xf32>
        %mul3A_1100 = arith.mulf %mul3A_1088, %sub3A_1071 : vector<16xf32>
        %add3A_1101 = arith.addf %add3A_1047, %mul3A_1100 : vector<16xf32>
        %mul3A_1102 = arith.mulf %mul3A_1088, %sub3A_1072 : vector<16xf32>
        %add3A_1103 = arith.addf %add3A_1049, %mul3A_1102 : vector<16xf32>
        %mul3A_1104 = arith.mulf %mul3A_1089, %sub3A_1071 : vector<16xf32>
        %add3A_1105 = arith.addf %add3A_1051, %mul3A_1104 : vector<16xf32>
        %mul3A_1106 = arith.mulf %mul3A_1089, %sub3A_1072 : vector<16xf32>
        %add3A_1107 = arith.addf %add3A_1053, %mul3A_1106 : vector<16xf32>
        %add3A_1108 = arith.constant 28 : i32
        %add3A_1109 = arith.addi %mul3A_355, %add3A_1108 : i32
        %add3A_1110 = vector.broadcast %add3A_1109 : i32 to vector<16xi32>
        %add3A_1111 = arith.addi %mul3A_3, %add3A_1110 : vector<16xi32>
        %add3A_1112 = arith.constant 1 : i32
        %add3A_1113 = vector.broadcast %add3A_1112 : i32 to vector<16xi32>
        %add3A_1114 = arith.addi %add3A_1111, %add3A_1113 : vector<16xi32>
        %gather3A_1115 = tpu.vector_load_idx %arg9[%add3A_1111, %broadcast_in_dim3A_4] : memref<4096x4xf32, #tpu.memory_space<vmem>>[vector<16xi32>, vector<16xi32>], vector<16xf32>,
        %gather3A_1116 = tpu.vector_load_idx %arg9[%add3A_1111, %broadcast_in_dim3A_6] : memref<4096x4xf32, #tpu.memory_space<vmem>>[vector<16xi32>, vector<16xi32>], vector<16xf32>,
        %gather3A_1117 = tpu.vector_load_idx %arg9[%add3A_1111, %broadcast_in_dim3A_8] : memref<4096x4xf32, #tpu.memory_space<vmem>>[vector<16xi32>, vector<16xi32>], vector<16xf32>,
        %gather3A_1118 = tpu.vector_load_idx %arg9[%add3A_1111, %broadcast_in_dim3A_10] : memref<4096x4xf32, #tpu.memory_space<vmem>>[vector<16xi32>, vector<16xi32>], vector<16xf32>,
        %gather3A_1119 = tpu.vector_load_idx %arg9[%add3A_1114, %broadcast_in_dim3A_4] : memref<4096x4xf32, #tpu.memory_space<vmem>>[vector<16xi32>, vector<16xi32>], vector<16xf32>,
        %gather3A_1120 = tpu.vector_load_idx %arg9[%add3A_1114, %broadcast_in_dim3A_6] : memref<4096x4xf32, #tpu.memory_space<vmem>>[vector<16xi32>, vector<16xi32>], vector<16xf32>,
        %gather3A_1121 = tpu.vector_load_idx %arg9[%add3A_1114, %broadcast_in_dim3A_8] : memref<4096x4xf32, #tpu.memory_space<vmem>>[vector<16xi32>, vector<16xi32>], vector<16xf32>,
        %gather3A_1122 = tpu.vector_load_idx %arg9[%add3A_1114, %broadcast_in_dim3A_10] : memref<4096x4xf32, #tpu.memory_space<vmem>>[vector<16xi32>, vector<16xi32>], vector<16xf32>,
        %sub3A_1123 = arith.subf %gather3A_1115, %gather3A_1119 : vector<16xf32>
        %sub3A_1124 = arith.subf %gather3A_1116, %gather3A_1120 : vector<16xf32>
        %sub3A_1125 = arith.subf %gather3A_1117, %gather3A_1121 : vector<16xf32>
        %sub3A_1126 = arith.subf %gather3A_1118, %gather3A_1122 : vector<16xf32>
        %mul3A_1127 = arith.mulf %sub3A_1123, %sub3A_1123 : vector<16xf32>
        %mul3A_1128 = arith.mulf %sub3A_1124, %sub3A_1124 : vector<16xf32>
        %add3A_1129 = arith.addf %mul3A_1127, %mul3A_1128 : vector<16xf32>
        %mul3A_1130 = arith.mulf %sub3A_1125, %sub3A_1125 : vector<16xf32>
        %add3A_1131 = arith.addf %add3A_1129, %mul3A_1130 : vector<16xf32>
        %eq3A_1132 = arith.constant 0.000000e+00 : f32
        %eq3A_1133 = vector.broadcast %eq3A_1132 : f32 to vector<16xf32>
        %eq3A_1134 = arith.cmpf oeq, %add3A_1131, %eq3A_1133 : vector<16xf32>
        %div3A_1135 = arith.constant 1.000000e+00 : f32
        %div3A_1136 = vector.broadcast %div3A_1135 : f32 to vector<16xf32>
        %div3A_1137 = arith.divf %div3A_1136, %add3A_1131 : vector<16xf32>
        %jit3A_1138 = arith.constant 1.000000e+00 : f32
        %broadcast_in_dim3A_1139 = vector.broadcast %jit3A_1138 : f32 to vector<16xf32>
        %select_n3A_1140 = arith.select %eq3A_1134, %broadcast_in_dim3A_1139, %div3A_1137 : vector<16xi1>, vector<16xf32>
        %mul3A_1141 = arith.mulf %select_n3A_1140, %sub3A_1123 : vector<16xf32>
        %mul3A_1142 = arith.mulf %select_n3A_1140, %sub3A_1124 : vector<16xf32>
        %mul3A_1143 = arith.mulf %select_n3A_1140, %sub3A_1125 : vector<16xf32>
        %mul3A_1144 = arith.mulf %mul3A_1141, %sub3A_1123 : vector<16xf32>
        %add3A_1145 = arith.addf %add3A_1091, %mul3A_1144 : vector<16xf32>
        %mul3A_1146 = arith.mulf %mul3A_1141, %sub3A_1124 : vector<16xf32>
        %add3A_1147 = arith.addf %add3A_1093, %mul3A_1146 : vector<16xf32>
        %mul3A_1148 = arith.mulf %mul3A_1141, %sub3A_1125 : vector<16xf32>
        %add3A_1149 = arith.addf %add3A_1095, %mul3A_1148 : vector<16xf32>
        %mul3A_1150 = arith.mulf %mul3A_1141, %sub3A_1126 : vector<16xf32>
        %add3A_1151 = arith.addf %add3A_1097, %mul3A_1150 : vector<16xf32>
        %mul3A_1152 = arith.mulf %mul3A_1142, %sub3A_1124 : vector<16xf32>
        %add3A_1153 = arith.addf %add3A_1099, %mul3A_1152 : vector<16xf32>
        %mul3A_1154 = arith.mulf %mul3A_1142, %sub3A_1125 : vector<16xf32>
        %add3A_1155 = arith.addf %add3A_1101, %mul3A_1154 : vector<16xf32>
        %mul3A_1156 = arith.mulf %mul3A_1142, %sub3A_1126 : vector<16xf32>
        %add3A_1157 = arith.addf %add3A_1103, %mul3A_1156 : vector<16xf32>
        %mul3A_1158 = arith.mulf %mul3A_1143, %sub3A_1125 : vector<16xf32>
        %add3A_1159 = arith.addf %add3A_1105, %mul3A_1158 : vector<16xf32>
        %mul3A_1160 = arith.mulf %mul3A_1143, %sub3A_1126 : vector<16xf32>
        %add3A_1161 = arith.addf %add3A_1107, %mul3A_1160 : vector<16xf32>
        %add3A_1162 = arith.constant 30 : i32
        %add3A_1163 = arith.addi %mul3A_355, %add3A_1162 : i32
        %add3A_1164 = vector.broadcast %add3A_1163 : i32 to vector<16xi32>
        %add3A_1165 = arith.addi %mul3A_3, %add3A_1164 : vector<16xi32>
        %add3A_1166 = arith.constant 1 : i32
        %add3A_1167 = vector.broadcast %add3A_1166 : i32 to vector<16xi32>
        %add3A_1168 = arith.addi %add3A_1165, %add3A_1167 : vector<16xi32>
        %gather3A_1169 = tpu.vector_load_idx %arg9[%add3A_1165, %broadcast_in_dim3A_4] : memref<4096x4xf32, #tpu.memory_space<vmem>>[vector<16xi32>, vector<16xi32>], vector<16xf32>,
        %gather3A_1170 = tpu.vector_load_idx %arg9[%add3A_1165, %broadcast_in_dim3A_6] : memref<4096x4xf32, #tpu.memory_space<vmem>>[vector<16xi32>, vector<16xi32>], vector<16xf32>,
        %gather3A_1171 = tpu.vector_load_idx %arg9[%add3A_1165, %broadcast_in_dim3A_8] : memref<4096x4xf32, #tpu.memory_space<vmem>>[vector<16xi32>, vector<16xi32>], vector<16xf32>,
        %gather3A_1172 = tpu.vector_load_idx %arg9[%add3A_1165, %broadcast_in_dim3A_10] : memref<4096x4xf32, #tpu.memory_space<vmem>>[vector<16xi32>, vector<16xi32>], vector<16xf32>,
        %gather3A_1173 = tpu.vector_load_idx %arg9[%add3A_1168, %broadcast_in_dim3A_4] : memref<4096x4xf32, #tpu.memory_space<vmem>>[vector<16xi32>, vector<16xi32>], vector<16xf32>,
        %gather3A_1174 = tpu.vector_load_idx %arg9[%add3A_1168, %broadcast_in_dim3A_6] : memref<4096x4xf32, #tpu.memory_space<vmem>>[vector<16xi32>, vector<16xi32>], vector<16xf32>,
        %gather3A_1175 = tpu.vector_load_idx %arg9[%add3A_1168, %broadcast_in_dim3A_8] : memref<4096x4xf32, #tpu.memory_space<vmem>>[vector<16xi32>, vector<16xi32>], vector<16xf32>,
        %gather3A_1176 = tpu.vector_load_idx %arg9[%add3A_1168, %broadcast_in_dim3A_10] : memref<4096x4xf32, #tpu.memory_space<vmem>>[vector<16xi32>, vector<16xi32>], vector<16xf32>,
        %sub3A_1177 = arith.subf %gather3A_1169, %gather3A_1173 : vector<16xf32>
        %sub3A_1178 = arith.subf %gather3A_1170, %gather3A_1174 : vector<16xf32>
        %sub3A_1179 = arith.subf %gather3A_1171, %gather3A_1175 : vector<16xf32>
        %sub3A_1180 = arith.subf %gather3A_1172, %gather3A_1176 : vector<16xf32>
        %mul3A_1181 = arith.mulf %sub3A_1177, %sub3A_1177 : vector<16xf32>
        %mul3A_1182 = arith.mulf %sub3A_1178, %sub3A_1178 : vector<16xf32>
        %add3A_1183 = arith.addf %mul3A_1181, %mul3A_1182 : vector<16xf32>
        %mul3A_1184 = arith.mulf %sub3A_1179, %sub3A_1179 : vector<16xf32>
        %add3A_1185 = arith.addf %add3A_1183, %mul3A_1184 : vector<16xf32>
        %eq3A_1186 = arith.constant 0.000000e+00 : f32
        %eq3A_1187 = vector.broadcast %eq3A_1186 : f32 to vector<16xf32>
        %eq3A_1188 = arith.cmpf oeq, %add3A_1185, %eq3A_1187 : vector<16xf32>
        %div3A_1189 = arith.constant 1.000000e+00 : f32
        %div3A_1190 = vector.broadcast %div3A_1189 : f32 to vector<16xf32>
        %div3A_1191 = arith.divf %div3A_1190, %add3A_1185 : vector<16xf32>
        %jit3A_1192 = arith.constant 1.000000e+00 : f32
        %broadcast_in_dim3A_1193 = vector.broadcast %jit3A_1192 : f32 to vector<16xf32>
        %select_n3A_1194 = arith.select %eq3A_1188, %broadcast_in_dim3A_1193, %div3A_1191 : vector<16xi1>, vector<16xf32>
        %mul3A_1195 = arith.mulf %select_n3A_1194, %sub3A_1177 : vector<16xf32>
        %mul3A_1196 = arith.mulf %select_n3A_1194, %sub3A_1178 : vector<16xf32>
        %mul3A_1197 = arith.mulf %select_n3A_1194, %sub3A_1179 : vector<16xf32>
        %mul3A_1198 = arith.mulf %mul3A_1195, %sub3A_1177 : vector<16xf32>
        %add3A_1199 = arith.addf %add3A_1145, %mul3A_1198 : vector<16xf32>
        %mul3A_1200 = arith.mulf %mul3A_1195, %sub3A_1178 : vector<16xf32>
        %add3A_1201 = arith.addf %add3A_1147, %mul3A_1200 : vector<16xf32>
        %mul3A_1202 = arith.mulf %mul3A_1195, %sub3A_1179 : vector<16xf32>
        %add3A_1203 = arith.addf %add3A_1149, %mul3A_1202 : vector<16xf32>
        %mul3A_1204 = arith.mulf %mul3A_1195, %sub3A_1180 : vector<16xf32>
        %add3A_1205 = arith.addf %add3A_1151, %mul3A_1204 : vector<16xf32>
        %mul3A_1206 = arith.mulf %mul3A_1196, %sub3A_1178 : vector<16xf32>
        %add3A_1207 = arith.addf %add3A_1153, %mul3A_1206 : vector<16xf32>
        %mul3A_1208 = arith.mulf %mul3A_1196, %sub3A_1179 : vector<16xf32>
        %add3A_1209 = arith.addf %add3A_1155, %mul3A_1208 : vector<16xf32>
        %mul3A_1210 = arith.mulf %mul3A_1196, %sub3A_1180 : vector<16xf32>
        %add3A_1211 = arith.addf %add3A_1157, %mul3A_1210 : vector<16xf32>
        %mul3A_1212 = arith.mulf %mul3A_1197, %sub3A_1179 : vector<16xf32>
        %add3A_1213 = arith.addf %add3A_1159, %mul3A_1212 : vector<16xf32>
        %mul3A_1214 = arith.mulf %mul3A_1197, %sub3A_1180 : vector<16xf32>
        %add3A_1215 = arith.addf %add3A_1161, %mul3A_1214 : vector<16xf32>
        %mul3A_1216 = arith.mulf %add3A_1207, %add3A_1213 : vector<16xf32>
        %mul3A_1217 = arith.mulf %add3A_1209, %add3A_1209 : vector<16xf32>
        %sub3A_1218 = arith.subf %mul3A_1216, %mul3A_1217 : vector<16xf32>
        %mul3A_1219 = arith.mulf %add3A_1201, %add3A_1213 : vector<16xf32>
        %mul3A_1220 = arith.mulf %add3A_1209, %add3A_1203 : vector<16xf32>
        %sub3A_1221 = arith.subf %mul3A_1219, %mul3A_1220 : vector<16xf32>
        %mul3A_1222 = arith.mulf %add3A_1201, %add3A_1209 : vector<16xf32>
        %mul3A_1223 = arith.mulf %add3A_1207, %add3A_1203 : vector<16xf32>
        %sub3A_1224 = arith.subf %mul3A_1222, %mul3A_1223 : vector<16xf32>
        %mul3A_1225 = arith.mulf %add3A_1199, %sub3A_1218 : vector<16xf32>
        %mul3A_1226 = arith.mulf %add3A_1201, %sub3A_1221 : vector<16xf32>
        %sub3A_1227 = arith.subf %mul3A_1225, %mul3A_1226 : vector<16xf32>
        %mul3A_1228 = arith.mulf %add3A_1203, %sub3A_1224 : vector<16xf32>
        %add3A_1229 = arith.addf %sub3A_1227, %mul3A_1228 : vector<16xf32>
        %mul3A_1230 = arith.mulf %add3A_1205, %sub3A_1218 : vector<16xf32>
        %mul3A_1231 = arith.mulf %add3A_1211, %sub3A_1221 : vector<16xf32>
        %sub3A_1232 = arith.subf %mul3A_1230, %mul3A_1231 : vector<16xf32>
        %mul3A_1233 = arith.mulf %add3A_1215, %sub3A_1224 : vector<16xf32>
        %add3A_1234 = arith.addf %sub3A_1232, %mul3A_1233 : vector<16xf32>
        %mul3A_1235 = arith.mulf %add3A_1211, %add3A_1213 : vector<16xf32>
        %mul3A_1236 = arith.mulf %add3A_1215, %add3A_1209 : vector<16xf32>
        %sub3A_1237 = arith.subf %mul3A_1235, %mul3A_1236 : vector<16xf32>
        %mul3A_1238 = arith.mulf %add3A_1199, %sub3A_1237 : vector<16xf32>
        %mul3A_1239 = arith.mulf %add3A_1205, %add3A_1213 : vector<16xf32>
        %mul3A_1240 = arith.mulf %add3A_1215, %add3A_1203 : vector<16xf32>
        %sub3A_1241 = arith.subf %mul3A_1239, %mul3A_1240 : vector<16xf32>
        %mul3A_1242 = arith.mulf %add3A_1201, %sub3A_1241 : vector<16xf32>
        %sub3A_1243 = arith.subf %mul3A_1238, %mul3A_1242 : vector<16xf32>
        %mul3A_1244 = arith.mulf %add3A_1205, %add3A_1209 : vector<16xf32>
        %mul3A_1245 = arith.mulf %add3A_1211, %add3A_1203 : vector<16xf32>
        %sub3A_1246 = arith.subf %mul3A_1244, %mul3A_1245 : vector<16xf32>
        %mul3A_1247 = arith.mulf %add3A_1203, %sub3A_1246 : vector<16xf32>
        %add3A_1248 = arith.addf %sub3A_1243, %mul3A_1247 : vector<16xf32>
        %mul3A_1249 = arith.mulf %add3A_1207, %add3A_1215 : vector<16xf32>
        %mul3A_1250 = arith.mulf %add3A_1209, %add3A_1211 : vector<16xf32>
        %sub3A_1251 = arith.subf %mul3A_1249, %mul3A_1250 : vector<16xf32>
        %mul3A_1252 = arith.mulf %add3A_1199, %sub3A_1251 : vector<16xf32>
        %mul3A_1253 = arith.mulf %add3A_1201, %add3A_1215 : vector<16xf32>
        %mul3A_1254 = arith.mulf %add3A_1209, %add3A_1205 : vector<16xf32>
        %sub3A_1255 = arith.subf %mul3A_1253, %mul3A_1254 : vector<16xf32>
        %mul3A_1256 = arith.mulf %add3A_1201, %sub3A_1255 : vector<16xf32>
        %sub3A_1257 = arith.subf %mul3A_1252, %mul3A_1256 : vector<16xf32>
        %mul3A_1258 = arith.mulf %add3A_1201, %add3A_1211 : vector<16xf32>
        %mul3A_1259 = arith.mulf %add3A_1207, %add3A_1205 : vector<16xf32>
        %sub3A_1260 = arith.subf %mul3A_1258, %mul3A_1259 : vector<16xf32>
        %mul3A_1261 = arith.mulf %add3A_1203, %sub3A_1260 : vector<16xf32>
        %add3A_1262 = arith.addf %sub3A_1257, %mul3A_1261 : vector<16xf32>
        %div3A_1263 = arith.constant 1.000000e+00 : f32
        %div3A_1264 = vector.broadcast %div3A_1263 : f32 to vector<16xf32>
        %div3A_1265 = arith.divf %div3A_1264, %add3A_1229 : vector<16xf32>
        %mul3A_1266 = arith.mulf %add3A_1234, %div3A_1265 : vector<16xf32>
        %mul3A_1267 = arith.constant 16 : i32
        %mul3A_1268 = arith.muli %scan3A_353, %mul3A_1267 : i32
        %swap3A = arith.index_cast %mul3A_1268 : i32 to index
        %swap3A_1269 = tpu.vector_load %arg10[%swap3A] {strides = array<i32>} : memref<128xf32, #tpu.memory_space<vmem>>, vector<16xf32>,
        tpu.vector_store %arg10[%swap3A], %mul3A_1266 {strides = array<i32>} : memref<128xf32, #tpu.memory_space<vmem>>, vector<16xf32>,
        %mul3A_1270 = arith.mulf %add3A_1248, %div3A_1265 : vector<16xf32>
        %mul3A_1271 = arith.constant 16 : i32
        %mul3A_1272 = arith.muli %scan3A_353, %mul3A_1271 : i32
        %swap3A_1273 = arith.index_cast %mul3A_1272 : i32 to index
        %swap3A_1274 = tpu.vector_load %arg11[%swap3A_1273] {strides = array<i32>} : memref<128xf32, #tpu.memory_space<vmem>>, vector<16xf32>,
        tpu.vector_store %arg11[%swap3A_1273], %mul3A_1270 {strides = array<i32>} : memref<128xf32, #tpu.memory_space<vmem>>, vector<16xf32>,
        %mul3A_1275 = arith.mulf %add3A_1262, %div3A_1265 : vector<16xf32>
        %mul3A_1276 = arith.constant 16 : i32
        %mul3A_1277 = arith.muli %scan3A_353, %mul3A_1276 : i32
        %swap3A_1278 = arith.index_cast %mul3A_1277 : i32 to index
        %swap3A_1279 = tpu.vector_load %arg12[%swap3A_1278] {strides = array<i32>} : memref<128xf32, #tpu.memory_space<vmem>>, vector<16xf32>,
        tpu.vector_store %arg12[%swap3A_1278], %mul3A_1275 {strides = array<i32>} : memref<128xf32, #tpu.memory_space<vmem>>, vector<16xf32>,
      }
      %scan3A_347 = arith.constant 8 : i32
      %mul3A_348 = arith.constant 3200 : i32
      %mul3A_349 = arith.muli %add3A, %mul3A_348 : i32
      %mul3A_350 = arith.constant 128 : i32
      %mul3A_351 = arith.muli %scan3A_18, %mul3A_350 : i32
      %add3A_352 = arith.addi %mul3A_349, %mul3A_351 : i32
      "tpu.region"() ({
        %run_scoped3A = tpu.sem_alloc : memref<!tpu.dma_semaphore, #tpu.memory_space<semaphore_mem>>
        %dma_start3A_353 = tpu.memref_slice %arg4[%add3A_352] : memref<102400xf32, #tpu.memory_space<hbm>> -> memref<128xf32, #tpu.memory_space<hbm>>
        %dma_start3A_354 = tpu.memref_slice %arg4[%add3A_352] : memref<102400xf32, #tpu.memory_space<hbm>> -> memref<128xf32, #tpu.memory_space<hbm>>
        tpu.enqueue_dma source(%arg10 : memref<128xf32, #tpu.memory_space<vmem>>) target(%dma_start3A_354 : memref<128xf32, #tpu.memory_space<hbm>>) target_semaphore(%run_scoped3A : memref<!tpu.dma_semaphore, #tpu.memory_space<semaphore_mem>>)
        %dma_wait3A_355 = tpu.memref_slice %arg4[%add3A_352] : memref<102400xf32, #tpu.memory_space<hbm>> -> memref<128xf32, #tpu.memory_space<hbm>>
        %dma_wait3A_356 = tpu.memref_slice %arg4[%add3A_352] : memref<102400xf32, #tpu.memory_space<hbm>> -> memref<128xf32, #tpu.memory_space<hbm>>
        tpu.wait_dma2 semaphore(%run_scoped3A : memref<!tpu.dma_semaphore, #tpu.memory_space<semaphore_mem>>) src(%arg10 : memref<128xf32, #tpu.memory_space<vmem>>) dst(%dma_wait3A_356 : memref<128xf32, #tpu.memory_space<hbm>>)
        tpu.yield
      }) : () -> ()
      "tpu.region"() ({
        %run_scoped3A = tpu.sem_alloc : memref<!tpu.dma_semaphore, #tpu.memory_space<semaphore_mem>>
        %dma_start3A_353 = tpu.memref_slice %arg5[%add3A_352] : memref<102400xf32, #tpu.memory_space<hbm>> -> memref<128xf32, #tpu.memory_space<hbm>>
        %dma_start3A_354 = tpu.memref_slice %arg5[%add3A_352] : memref<102400xf32, #tpu.memory_space<hbm>> -> memref<128xf32, #tpu.memory_space<hbm>>
        tpu.enqueue_dma source(%arg11 : memref<128xf32, #tpu.memory_space<vmem>>) target(%dma_start3A_354 : memref<128xf32, #tpu.memory_space<hbm>>) target_semaphore(%run_scoped3A : memref<!tpu.dma_semaphore, #tpu.memory_space<semaphore_mem>>)
        %dma_wait3A_355 = tpu.memref_slice %arg5[%add3A_352] : memref<102400xf32, #tpu.memory_space<hbm>> -> memref<128xf32, #tpu.memory_space<hbm>>
        %dma_wait3A_356 = tpu.memref_slice %arg5[%add3A_352] : memref<102400xf32, #tpu.memory_space<hbm>> -> memref<128xf32, #tpu.memory_space<hbm>>
        tpu.wait_dma2 semaphore(%run_scoped3A : memref<!tpu.dma_semaphore, #tpu.memory_space<semaphore_mem>>) src(%arg11 : memref<128xf32, #tpu.memory_space<vmem>>) dst(%dma_wait3A_356 : memref<128xf32, #tpu.memory_space<hbm>>)
        tpu.yield
      }) : () -> ()
      "tpu.region"() ({
        %run_scoped3A = tpu.sem_alloc : memref<!tpu.dma_semaphore, #tpu.memory_space<semaphore_mem>>
        %dma_start3A_353 = tpu.memref_slice %arg6[%add3A_352] : memref<102400xf32, #tpu.memory_space<hbm>> -> memref<128xf32, #tpu.memory_space<hbm>>
        %dma_start3A_354 = tpu.memref_slice %arg6[%add3A_352] : memref<102400xf32, #tpu.memory_space<hbm>> -> memref<128xf32, #tpu.memory_space<hbm>>
        tpu.enqueue_dma source(%arg12 : memref<128xf32, #tpu.memory_space<vmem>>) target(%dma_start3A_354 : memref<128xf32, #tpu.memory_space<hbm>>) target_semaphore(%run_scoped3A : memref<!tpu.dma_semaphore, #tpu.memory_space<semaphore_mem>>)
        %dma_wait3A_355 = tpu.memref_slice %arg6[%add3A_352] : memref<102400xf32, #tpu.memory_space<hbm>> -> memref<128xf32, #tpu.memory_space<hbm>>
        %dma_wait3A_356 = tpu.memref_slice %arg6[%add3A_352] : memref<102400xf32, #tpu.memory_space<hbm>> -> memref<128xf32, #tpu.memory_space<hbm>>
        tpu.wait_dma2 semaphore(%run_scoped3A : memref<!tpu.dma_semaphore, #tpu.memory_space<semaphore_mem>>) src(%arg12 : memref<128xf32, #tpu.memory_space<vmem>>) dst(%dma_wait3A_356 : memref<128xf32, #tpu.memory_space<hbm>>)
        tpu.yield
      }) : () -> ()
    }
    %scan3A_17 = arith.constant 25 : i32
    return
  }
}

</mosaic_0001>

<sc_bundles>
// kernel: _run.3.cloned.1.call-start
scs
__scs_entry_jumppad:
0x0: {  	(pc) =	sbr.rel $0x88, $3  }
0x1: {  	(tag) =	ssettag $0x0;
	lr =	simm.s32 $0x1  }
0x2: {  	[smem:$0x3F9F] =	sst lr;
	_ =	strace $0xD0000000  }
0x3: {  	_ = 	snop  }
0x4: {  	_ = 	snop  }
0x5: {  	_ = 	snop  }
0x6: {  	_ = 	snop  }
0x7: {  	_ = 	snop  }
__scs_overlays_trampoline_lowered:
0x8: {  	[smem:$0x3FAE] =	sst s0  }
0x9: {  	[smem:$0x3FAF] =	sst s1  }
0xa: {  	[smem:$0x3FB0] =	sst s2  }
0xb: {  	[smem:$0x3FB1] =	sst s3  }
0xc: {  	[smem:$0x3FB2] =	sst s4  }
0xd: {  	[smem:$0x3FB3] =	sst s5  }
0xe: {  	[smem:$0x3FB4] =	sst s6  }
0xf: {  	[smem:$0x3FB5] =	sst s7  }
0x10: {  	[smem:$0x3FB6] =	sst s8  }
0x11: {  	[smem:$0x3FB7] =	sst s9;
	s0 =	simm.s32 @!p0 $0x0  }
0x12: {  	s1 =	sld [smem:$0x3F9D];
	s0 =	simm.s32 @p0 $0x1  }
0x13: {  	[smem:$0x3FB8] =	sst s0;
	s0 =	simm.s32 @!p1 $0x0  }
0x14: {  	s2 =	sld [smem:$0x3F9C];
	s0 =	simm.s32 @p1 $0x1  }
0x15: {  	[smem:$0x3FB9] =	sst s0;
	s0 =	simm.s32 @!p2 $0x0  }
0x16: {  	s3 =	sld [smem:$0x3FDB];
	s0 =	simm.s32 @p2 $0x1  }
0x17: {  	s4 =	simm.s32 $0x1BF5;
	[smem:$0x3FBB] =	sst s0  }
0x18: {  	s0 =	sld [smem:$0x3F9E];
	_ =	swait.ge [sflag:s4], $0x0  }
0x19: {  	s7 =	sld [smem:$0x3F9F]  }
0x1a: {  	s8 =	sadd.s32 $0xFFFFE003, lr  }
0x1b: {  	s9 =	sadd.s32 $0xFFFFFEF7, lr;
	s5 =	simm.s32 $0xFFFFFFFF;
	p2 =	slt.u32 s8, $0xFFFFF086  }
0x1c: {  	p1 =	slt.u32 s9, $0xF7A;
	s5 =	simm.s32 @!p2 $0x0  }
0x1d: {  	s5 =	simm.s32 @p1 $0x1;
	p0 =	seq.s32 s7, s2  }
0x1e: {  	s7 =	smul.u32 @!p0 $0xF7A, s2;
	p2 =	seq.s32 @!p0 s5, $0x0  }
0x1f: {  	s9 =	smul.u32 $0xF7A, s1;
	s8 =	simm.s32 @!p0 $0x1BF5;
	p2 =	por !p2, p0  }
0x20: {  	[sflag:s8] =	ssyncset.s32 @!p0 $0xFFFFF086;
	s6 =	sadd.s32 @!p0 s3, s7;
	s7 =	simm.s32 @!p0 $0x108  }
0x21: {  	s3 =	sadd.s32 s3, s9;
	s6 =	sadd.s32 @!p0 $0x88, s6;
	s7 =	simm.s32 @p2 $0x1082  }
0x22: {  	[simem:s7], [sflag:s8] =	dma.local @!p0 [hbm:s6], $0xF7A  }
0x23: {  	s9 =	sor.u32 $0xD0000000, s2;
	s6 =	simm.s32 $0x108;
	_ =	swait.ge @!p0 [sflag:s8], $0x0  }
0x24: {  	s3 =	sadd.s32 $0x88, s3;
	s6 =	simm.s32 @!p1 $0x1082;
	[sflag:s4] =	ssyncset.s32 $0xFFFFF086  }
0x25: {  	[simem:s6], [sflag:s4] =	dma.local [hbm:s3], $0xF7A  }
0x26: {  	[smem:$0x3F9F] =	sst s1;
	(tag) =	ssettag s2;
	_ =	strace s9  }
0x27: {  	s1 =	sld [smem:$0x3FAF]  }
0x28: {  	s2 =	sld [smem:$0x3FB0]  }
0x29: {  	s4 =	sld [smem:$0x3FB2]  }
0x2a: {  	p0 =	seq.s32 s5, $0x0;
	s5 =	sld [smem:$0x3FB3]  }
0x2b: {  	s6 =	sld [smem:$0x3FB4]  }
0x2c: {  	s7 =	sld [smem:$0x3FB5]  }
0x2d: {  	s3 =	simm.s32 $0x108;
	s8 =	sld [smem:$0x3FB6]  }
0x2e: {  	s3 =	simm.s32 @!p0 $0x1082;
	s9 =	sld [smem:$0x3FB7]  }
0x2f: {  	lr =	sadd.s32 s0, s3;
	s0 =	sld [smem:$0x3FAE]  }
0x30: {  	s3 =	sld [smem:$0x3FB1]  }
0x31: {  	[smem:$0x3FBA] =	sst s10  }
0x32: {  	s10 =	sld [smem:$0x3FB8];
	_ =	sdelay $0x3  }
0x33: {  	p0 =	seq.s32 s10, $0x1;
	s10 =	sld [smem:$0x3FBA];
	_ =	sdelay $0x3  }
0x34: {  	[smem:$0x3FBA] =	sst s10  }
0x35: {  	s10 =	sld [smem:$0x3FB9];
	_ =	sdelay $0x3  }
0x36: {  	p1 =	seq.s32 s10, $0x1;
	s10 =	sld [smem:$0x3FBA];
	_ =	sdelay $0x3  }
0x37: {  	[smem:$0x3FBA] =	sst s10  }
0x38: {  	s10 =	sld [smem:$0x3FBB]  }
0x39: {  	_ = 	snop;
	(pc) =	sbr.ind lr, $3  }
0x3a: {  	_ = 	snop  }
0x3b: {  	_ = 	snop  }
0x3c: {  	p2 =	seq.s32 s10, $0x1;
	s10 =	sld [smem:$0x3FBA]  }
0x3d: {  	_ =	shalt  }
0x3e: {  	_ =	shalt  }
0x3f: {  	_ =	shalt  }
0x40: {  	_ =	shalt  }
0x41: {  	_ =	shalt  }
0x42: {  	_ =	shalt  }
0x43: {  	_ =	shalt  }
0x44: {  	_ =	shalt  }
0x45: {  	_ =	shalt  }
0x46: {  	_ =	shalt  }
0x47: {  	_ =	shalt  }
0x48: {  	_ =	shalt  }
0x49: {  	_ =	shalt  }
0x4a: {  	_ =	shalt  }
0x4b: {  	_ =	shalt  }
0x4c: {  	_ =	shalt  }
0x4d: {  	_ =	shalt  }
0x4e: {  	_ =	shalt  }
0x4f: {  	_ =	shalt  }
0x50: {  	_ =	shalt  }
0x51: {  	_ =	shalt  }
0x52: {  	_ =	shalt  }
0x53: {  	_ =	shalt  }
0x54: {  	_ =	shalt  }
0x55: {  	_ =	shalt  }
0x56: {  	_ =	shalt  }
0x57: {  	_ =	shalt  }
0x58: {  	_ =	shalt  }
0x59: {  	_ =	shalt  }
0x5a: {  	_ =	shalt  }
0x5b: {  	_ =	shalt  }
0x5c: {  	_ =	shalt  }
0x5d: {  	_ =	shalt  }
0x5e: {  	_ =	shalt  }
0x5f: {  	_ =	shalt  }
0x60: {  	_ =	shalt  }
0x61: {  	_ =	shalt  }
0x62: {  	_ =	shalt  }
0x63: {  	_ =	shalt  }
0x64: {  	_ =	shalt  }
0x65: {  	_ =	shalt  }
0x66: {  	_ =	shalt  }
0x67: {  	_ =	shalt  }
0x68: {  	_ =	shalt  }
0x69: {  	_ =	shalt  }
0x6a: {  	_ =	shalt  }
0x6b: {  	_ =	shalt  }
0x6c: {  	_ =	shalt  }
0x6d: {  	_ =	shalt  }
0x6e: {  	_ =	shalt  }
0x6f: {  	_ =	shalt  }
0x70: {  	_ =	shalt  }
0x71: {  	_ =	shalt  }
0x72: {  	_ =	shalt  }
0x73: {  	_ =	shalt  }
0x74: {  	_ =	shalt  }
0x75: {  	_ =	shalt  }
0x76: {  	_ =	shalt  }
0x77: {  	_ =	shalt  }
0x78: {  	_ =	shalt  }
0x79: {  	_ =	shalt  }
0x7a: {  	_ =	shalt  }
0x7b: {  	_ =	shalt  }
0x7c: {  	_ =	shalt  }
0x7d: {  	_ =	shalt  }
0x7e: {  	_ =	shalt  }
0x7f: {  	_ =	shalt  }
0x80: {  	_ =	shalt  }
0x81: {  	_ =	shalt  }
0x82: {  	_ =	shalt  }
0x83: {  	_ =	shalt  }
0x84: {  	_ =	shalt  }
0x85: {  	_ =	shalt  }
0x86: {  	_ =	shalt  }
0x87: {  	_ =	shalt  }
.Lfunc_end0:
.L_simem_size_0:
called_computation_lowered:
.L_overlay_start_0:
0x88: {  	s2 =	sld [smem:$0x3FD9]  }
0x89: {  	s3 =	sld [smem:$0x3FFE];
	_ =	sdelay $0x1  }
0x8a: {  	s1 =	srdreg.scid  }
0x8b: {  	s0 =	sand.u32 $0x1, s1  }
0x8c: {  	s14 =	sshll.u32 s0, $0xA;
	s2 =	sadd.s32 s3, s2  }
0x8d: {  	s2 =	sadd.s32 s2, s14  }
0x8e: {  	[smem:$0x3FC6] =	sst s2  }
0x8f: {  	_ = 	snop  }
0x90: {  	s2 =	sld [smem:$0x3FD0];
	_ =	sdelay $0x2  }
0x91: {  	s15 =	simm.s32 $0xA;
	s4 =	simm.s32 $0x10  }
0x92: {  	[smem:s4], [sflag:s15] =	dma.local [hbm:s2], $0x1  }
0x93: {  	_ =	swait.eq [sflag:s15], $0x1  }
0x94: {  	s16 =	sld [smem:$0x10];
	[sflag:s15] =	ssyncset.done $0x0  }
0x95: {  	s17 =	sld [smem:$0x11];
	[sflag:s15] =	ssyncadd.s32 $0xFFFFFFFF  }
0x96: {  	s18 =	sld [smem:$0x12];
	(tm) =	ssettm $0x1  }
0x97: {  	s5 =	sld [smem:$0x3FFB];
	_ =	sdelay $0x3  }
0x98: {  	_ =	strace s5  }
0x99: {  	s5 =	sld [smem:$0x3FFC];
	_ =	sdelay $0x3  }
0x9a: {  	_ =	strace s5  }
0x9b: {  	s5 =	sld [smem:$0x3FFD];
	_ =	sdelay $0x3  }
0x9c: {  	_ =	strace s5  }
0x9d: {  	_ =	strace $0x8FFFFFFF  }
0x9e: {  	s19 =	sld [smem:$0x3FDB];
	_ =	sdelay $0x1  }
0x9f: {  	s6 =	simm.s32 $_scs_section_size  }
0xa0: {  	s7 =	simm.s32 $_size__tile_overlayer_lowered;
	s8 =	simm.s32 $_tile_overlayer_lowered  }
0xa1: {  	s22 =	simm.s32 $0x1BFF;
	s21 =	sshll.u32 s8, $0x1;
	s5 =	sadd.s32 s6, s19  }
0xa2: {  	s9 =	simm.s32 $0x0;
	s20 =	sshll.u32 s7, $0x1;
	s7 =	sadd.s32 s21, s5  }
0xa3: {  	[timem:s9], [sflag:s22] =	dma.local [hbm:s7], s20  }
0xa4: {  	_ =	swait.ge [sflag:s22], s20  }
0xa5: {  	s6 =	ssub.s32 $0x0, s20;
	[sflag:s22] =	ssyncset.done $0x0  }
0xa6: {  	[sflag:s22] =	ssyncadd.s32 s6;
	_ =	sdelay $0x1  }
0xa7: {  	s23 =	simm.s32 $0x1B8B  }
0xa8: {  	_ =	swait.ge [sflag:s23], $0x1  }
0xa9: {  	[sflag:s23] =	ssyncset.done $0x0  }
0xaa: {  	s25 =	simm.s32 $0x1B8E;
	s24 =	sld [smem:$0x3FFE];
	[sflag:s23] =	ssyncadd.s32 $0xFFFFFFFF  }
0xab: {  	s26 =	simm.s32 $execute0_lowered;
	[smem:$0x3FD2] =	sst s25  }
0xac: {  	s7 =	sshll.u32 s26, $0x1;
	_ =	strace $0x80000046;
	[dreg:$0x1] =	wrdreg $0xFFFFFFFF  }
0xad: {  	s28 =	simm.s32 $_size_execute0_lowered;
	s5 =	sadd.s32 s5, s7;
	[dreg:$0x0] =	wrdreg $0x0  }
0xae: {  	s7 =	sshll.u32 s28, $0x1;
	[dreg:$0x2] =	wrdreg s5  }
0xaf: {  	[dreg:$0x3] =	wrdreg s7  }
0xb0: {  	[dreg:$0x4] =	wrdreg $0xC0  }
0xb1: {  	_ =	task [dreg:s9], $0x5FFFF  }
0xb2: {  	[dreg:$0x1] =	wrdreg $0xFFFFFFFF  }
0xb3: {  	[dreg:$0x0] =	wrdreg $0x60  }
0xb4: {  	[dreg:$0x2] =	wrdreg s24  }
0xb5: {  	[dreg:$0x3] =	wrdreg s16  }
0xb6: {  	[dreg:$0x4] =	wrdreg s17  }
0xb7: {  	[dreg:$0x5] =	wrdreg s18  }
0xb8: {  	[dreg:$0x6] =	wrdreg $0x0  }
0xb9: {  	[dreg:$0x7] =	wrdreg $0x9  }
0xba: {  	_ =	task.clear_ibuf [dreg:s9], $0x8FFFF;
	_ =	strace $0x90000046  }
0xbb: {  	s29 =	simm.s32 $0x9;
	_ =	strace $0x80000048  }
0xbc: {  	_ =	swait.ge [sflag:s29], $0x1  }
0xbd: {  	[sflag:s29] =	ssyncadd.s32 $0xFFFFFFFF  }
0xbe: {  	_ =	strace $0x90000048  }
0xbf: {  	_ =	sfence  }
0xc0: {  	s30 =	sld [smem:$0x0];
	_ =	sdelay $0x2  }
0xc1: {  	s31 =	sshll.u32 s1, $0xD;
	s1 =	sshrl.u32 s1, $0x2  }
0xc2: {  	s3 =	sand.u32 $0x4000, s31;
	s1 =	sadd.s32 s1, s30  }
0xc3: {  	s0 =	sor.u32 s3, s0;
	s1 =	sshll.u32 s1, $0x11  }
0xc4: {  	s0 =	sor.u32 s1, s0  }
0xc5: {  	s0 =	sadd.s32 $0x8F2B, s0  }
0xc6: {  	[sflag:s0] =	ssyncadd.remote.s32 $0x1  }
0xc7: {  	_ =	sfence.sel $0xFFFF  }
0xc8: {  	[dreg:$0x0] =	wrdreg $0xFFFFFFFF;
	(pc) =	sbr.abs _section_cstart, $3  }
0xc9: {  	[dreg:$0x1] =	wrdreg $0xFFFFFFFF  }
0xca: {  	_ =	task.clear_ibuf [dreg:s9], $0x2FFFF;
	_ =	strace $0x9FFFFFFF  }
0xcb: {  	(tm) =	ssettm $0x7FFFFFFF  }
tec
execute0_lowered:
.L_overlay_start_1:
0x0: {  	(tag) =	ssettag $0x1  }
0x1: {  	s0 =	rddreg [dreg:$0x0]  }
0x2: {  	s5 =	rddreg [dreg:$0x4]  }
0x3: {  	s9 =	stileid.u32;
	s2 =	srdreg.scid;
	s6 =	simm.s32 $0x0  }
0x4: {  	s14 =	simm.s32 $0x2;
	s15 =	simm.s32 $0x6200;
	s16 =	simm.s32 $0x100  }
0x5: {  	s17 =	simm.s32 $0x7200;
	s13 =	simm.s32 $0x6C00;
	s18 =	simm.s32 $0x6E00  }
0x6: {  	s19 =	simm.s32 $0xD200;
	s20 =	simm.s32 $0x6F00;
	s21 =	simm.s32 $0xDA00  }
0x7: {  	s22 =	simm.s32 $0x7000;
	s28 =	simm.s32 $0xF200;
	s29 =	simm.s32 $0xF280  }
0x8: {  	s30 =	simm.s32 $0xF300;
	s1 =	smul.u32 $0xC400, s9;
	s2 =	sand.u32 $0x1, s2  }
0x9: {  	[smem:$0x7FF] =	sst s6;
	s7 =	sadd.s32 $0x1A000, s0;
	s24 =	sshll.u32 s9, $0x1  }
0xa: {  	s25 =	sshll.u32 s9, $0x6;
	s4 =	ssub.s32 $0x2, s2;
	_ =	strace $0x80000047  }
0xb: {  	s2 =	sor.u32 s2, s24;
	s26 =	sor.u32 $0x1C02, s25;
	s24 =	simm.s32 $0x7100  }
0xc: {  	s25 =	simm.s32 $0xEA00;
	s3 =	sshrl.u32 s1, $0x3;
	s8 =	sshrl.u32 s4, $0x1  }
0xd: {  	s1 =	sadd.s32 s1, s5;
	[dreg:$0x7] =	wrdreg s26;
	s10 =	smul.u32 $0x19, s2  }
0xe: {  	s11 =	smul.u32 $0xC80, s2;
	s26 =	simm.s32 $0x1;
	s2 =	simm.s32 $0x0  }
0xf: {  	v0 =	vlaneseq.u32;
	s3 =	sadd.s32 s3, s0;
	s23 =	ssub.s32 s4, s8;
	s31 =	sshrl.u32 s1, $0x3  }
0x10: {  	v0 =	vmul.u32 $0x100, v0;
	s1 =	simm.s32 $0xC200;
	s3 =	sadd.s32 $0x1800, s3;
	[dreg:$0x9] =	wrdreg s31  }
0x11: {  	s4 =	simm.s32 $0xCA00;
	s0 =	smax.u32 s23, $0x1;
	[dreg:$0x6] =	wrdreg s3  }
0x12: {  	v1 =	vor.u32 $0x8, v0;
	s23 =	simm.s32 $0xE200;
	[dreg:$0x8] =	wrdreg s0;
	s3 =	simm.s32 $0x6D00  }
.LBB2_1:
0x13: {  	[dreg:$0xa] =	wrdreg s2  }
0x14: {  	s0 =	rddreg [dreg:$0x6]  }
0x15: {  	s12 =	rddreg [dreg:$0x7]  }
0x16: {  	s8 =	rddreg [dreg:$0x9]  }
0x17: {  	[spmem:s8], [sflag:s12] =	dma.local [hbm:s0], $0x1880  }
0x18: {  	_ =	swait.ge [sflag:s14], $0x1880  }
0x19: {  	[sflag:s14] =	ssyncset.done $0x0  }
0x1a: {  	[sflag:s14] =	ssyncadd.s32 $0xFFFFE780  }
0x1b: {  	s31 =	simm.s32 $0x0;
	[bflag:$0x0] =	sbarrier.arrive $0xFFFF  }
.LBB2_2:
0x1c: {  	s0 =	sadd.s32 s10, s31  }
0x1d: {  	s0 =	sshll.u32 s0, $0x9  }
0x1e: {  	s0 =	sadd.s32 s7, s0  }
0x1f: {  	[tilespmem:s15], [sflag:$0x2] =	stream.linear.gather [hbm4b:s0+s6], $0x1000, $0x38;
	[tilespmem:$0xF380] =	vst v63  }
0x20: {  	_ =	swait.ge [sflag:s14], $0x1000  }
0x21: {  	[sflag:s14] =	ssyncset.done $0x0  }
0x22: {  	[sflag:s14] =	ssyncadd.s32 $0xFFFFF000  }
0x23: {  	[tilespmem:s17], [sflag:$0x1] =	stream.indirect.gather [spmem:s5], $0x4, s15, s16, $0xb8;
	[tilespmem:$0xF380] =	vst v63  }
0x24: {  	s12 =	simm.s32 $0x6300;
	s2 =	simm.s32 $0x7A00  }
0x25: {  	[tilespmem:s2], [sflag:$0x1] =	stream.indirect.gather [spmem:s5], $0x4, s12, s16, $0xb8;
	[tilespmem:$0xF380] =	vst v63  }
0x26: {  	s8 =	simm.s32 $0x8200;
	s2 =	simm.s32 $0x6400  }
0x27: {  	[tilespmem:s8], [sflag:$0x1] =	stream.indirect.gather [spmem:s5], $0x4, s2, s16, $0xb8;
	[tilespmem:$0xF380] =	vst v63  }
0x28: {  	s9 =	simm.s32 $0x6500;
	s12 =	simm.s32 $0x8A00  }
0x29: {  	[tilespmem:s12], [sflag:$0x1] =	stream.indirect.gather [spmem:s5], $0x4, s9, s16, $0xb8;
	[tilespmem:$0xF380] =	vst v63  }
0x2a: {  	s2 =	simm.s32 $0x6600;
	s8 =	simm.s32 $0x9200  }
0x2b: {  	[tilespmem:s8], [sflag:$0x1] =	stream.indirect.gather [spmem:s5], $0x4, s2, s16, $0xb8;
	[tilespmem:$0xF380] =	vst v63  }
0x2c: {  	s9 =	simm.s32 $0x6700;
	s12 =	simm.s32 $0x9A00  }
0x2d: {  	[tilespmem:s12], [sflag:$0x1] =	stream.indirect.gather [spmem:s5], $0x4, s9, s16, $0xb8;
	[tilespmem:$0xF380] =	vst v63  }
0x2e: {  	s2 =	simm.s32 $0x6800;
	s8 =	simm.s32 $0xA200  }
0x2f: {  	[tilespmem:s8], [sflag:$0x1] =	stream.indirect.gather [spmem:s5], $0x4, s2, s16, $0xb8;
	[tilespmem:$0xF380] =	vst v63  }
0x30: {  	s9 =	simm.s32 $0x6900;
	s12 =	simm.s32 $0xAA00  }
0x31: {  	[tilespmem:s12], [sflag:$0x1] =	stream.indirect.gather [spmem:s5], $0x4, s9, s16, $0xb8;
	[tilespmem:$0xF380] =	vst v63  }
0x32: {  	s2 =	simm.s32 $0x6A00;
	s8 =	simm.s32 $0xB200  }
0x33: {  	[tilespmem:s8], [sflag:$0x1] =	stream.indirect.gather [spmem:s5], $0x4, s2, s16, $0xb8;
	[tilespmem:$0xF380] =	vst v63  }
0x34: {  	s9 =	simm.s32 $0x6B00;
	s12 =	simm.s32 $0xBA00  }
0x35: {  	[tilespmem:s12], [sflag:$0x1] =	stream.indirect.gather [spmem:s5], $0x4, s9, s16, $0xb8;
	[tilespmem:$0xF380] =	vst v63  }
0x36: {  	_ = 	snop  }
0x37: {  	[tilespmem:s1], [sflag:$0x1] =	stream.indirect.gather [spmem:s5], $0x4, s13, s16, $0xb8;
	[tilespmem:$0xF380] =	vst v63  }
0x38: {  	_ = 	snop  }
0x39: {  	[tilespmem:s4], [sflag:$0x1] =	stream.indirect.gather [spmem:s5], $0x4, s3, s16, $0xb8;
	[tilespmem:$0xF380] =	vst v63  }
0x3a: {  	_ = 	snop  }
0x3b: {  	[tilespmem:s19], [sflag:$0x1] =	stream.indirect.gather [spmem:s5], $0x4, s18, s16, $0xb8;
	[tilespmem:$0xF380] =	vst v63  }
0x3c: {  	_ = 	snop  }
0x3d: {  	[tilespmem:s21], [sflag:$0x1] =	stream.indirect.gather [spmem:s5], $0x4, s20, s16, $0xb8;
	[tilespmem:$0xF380] =	vst v63  }
0x3e: {  	_ = 	snop  }
0x3f: {  	[tilespmem:s23], [sflag:$0x1] =	stream.indirect.gather [spmem:s5], $0x4, s22, s16, $0xb8;
	[tilespmem:$0xF380] =	vst v63  }
0x40: {  	_ = 	snop  }
0x41: {  	[tilespmem:s25], [sflag:$0x1] =	stream.indirect.gather [spmem:s5], $0x4, s24, s16, $0xb8;
	[tilespmem:$0xF380] =	vst v63  }
0x42: {  	_ =	swait.ge [sflag:s26], $0x400  }
0x43: {  	[sflag:s26] =	ssyncset.done $0x0  }
0x44: {  	[sflag:s26] =	ssyncadd.s32 $0xFFFFFC00  }
0x45: {  	_ =	swait.ge [sflag:s26], $0x400  }
0x46: {  	[sflag:s26] =	ssyncset.done $0x0  }
0x47: {  	[sflag:s26] =	ssyncadd.s32 $0xFFFFFC00  }
0x48: {  	_ =	swait.ge [sflag:s26], $0x400  }
0x49: {  	[sflag:s26] =	ssyncset.done $0x0  }
0x4a: {  	[sflag:s26] =	ssyncadd.s32 $0xFFFFFC00  }
0x4b: {  	_ =	swait.ge [sflag:s26], $0x400  }
0x4c: {  	[sflag:s26] =	ssyncset.done $0x0  }
0x4d: {  	[sflag:s26] =	ssyncadd.s32 $0xFFFFFC00  }
0x4e: {  	_ =	swait.ge [sflag:s26], $0x400  }
0x4f: {  	[sflag:s26] =	ssyncset.done $0x0  }
0x50: {  	[sflag:s26] =	ssyncadd.s32 $0xFFFFFC00  }
0x51: {  	_ =	swait.ge [sflag:s26], $0x400  }
0x52: {  	[sflag:s26] =	ssyncset.done $0x0  }
0x53: {  	[sflag:s26] =	ssyncadd.s32 $0xFFFFFC00  }
0x54: {  	_ =	swait.ge [sflag:s26], $0x400  }
0x55: {  	[sflag:s26] =	ssyncset.done $0x0  }
0x56: {  	[sflag:s26] =	ssyncadd.s32 $0xFFFFFC00  }
0x57: {  	_ =	swait.ge [sflag:s26], $0x400  }
0x58: {  	[sflag:s26] =	ssyncset.done $0x0  }
0x59: {  	[sflag:s26] =	ssyncadd.s32 $0xFFFFFC00  }
0x5a: {  	_ =	swait.ge [sflag:s26], $0x400  }
0x5b: {  	[sflag:s26] =	ssyncset.done $0x0  }
0x5c: {  	[sflag:s26] =	ssyncadd.s32 $0xFFFFFC00  }
0x5d: {  	_ =	swait.ge [sflag:s26], $0x400  }
0x5e: {  	[sflag:s26] =	ssyncset.done $0x0  }
0x5f: {  	[sflag:s26] =	ssyncadd.s32 $0xFFFFFC00  }
0x60: {  	_ =	swait.ge [sflag:s26], $0x400  }
0x61: {  	[sflag:s26] =	ssyncset.done $0x0  }
0x62: {  	[sflag:s26] =	ssyncadd.s32 $0xFFFFFC00  }
0x63: {  	_ =	swait.ge [sflag:s26], $0x400  }
0x64: {  	[sflag:s26] =	ssyncset.done $0x0  }
0x65: {  	[sflag:s26] =	ssyncadd.s32 $0xFFFFFC00  }
0x66: {  	_ =	swait.ge [sflag:s26], $0x400  }
0x67: {  	[sflag:s26] =	ssyncset.done $0x0  }
0x68: {  	[sflag:s26] =	ssyncadd.s32 $0xFFFFFC00  }
0x69: {  	_ =	swait.ge [sflag:s26], $0x400  }
0x6a: {  	[sflag:s26] =	ssyncset.done $0x0  }
0x6b: {  	[sflag:s26] =	ssyncadd.s32 $0xFFFFFC00  }
0x6c: {  	_ =	swait.ge [sflag:s26], $0x400  }
0x6d: {  	[sflag:s26] =	ssyncset.done $0x0  }
0x6e: {  	[sflag:s26] =	ssyncadd.s32 $0xFFFFFC00  }
0x6f: {  	_ =	swait.ge [sflag:s26], $0x400  }
0x70: {  	s0 =	simm.s32 $0xF200;
	s2 =	simm.s32 $0x1E;
	[sflag:s26] =	ssyncset.done $0x0  }
0x71: {  	s8 =	simm.s32 $0xF280;
	s9 =	simm.s32 $0xF300;
	[sflag:s26] =	ssyncadd.s32 $0xFFFFFC00  }
.LBB2_3:
0x72: {  	s12 =	sadd.s32 $0xFFFFFFE2, s2  }
0x73: {  	v2 =	vmov s12  }
0x74: {  	v2 =	vshll.u32 v2, $0x3  }
0x75: {  	v3 =	vor.u32 v0, v2  }
0x76: {  	v2 =	vor.u32 v1, v2  }
0x77: {  	v4 =	vor.u32 $0x1, v3  }
0x78: {  	s12 =	sadd.s32 $0xFFFFFFE4, s2;
	v5 =	vor.u32 $0x2, v3  }
0x79: {  	v10 =	vmov s12;
	v6 =	vor.u32 $0x1, v2  }
0x7a: {  	v10 =	vshll.u32 v10, $0x3;
	v8 =	vor.u32 $0x2, v2;
	v7 =	vld.idx.msk [tilespmem:v3+s17+$0x0], $0xffff  }
0x7b: {  	v11 =	vor.u32 v0, v10;
	v9 =	vld.idx.msk [tilespmem:v2+s17+$0x0], $0xffff  }
0x7c: {  	v10 =	vor.u32 v1, v10;
	v4 =	vld.idx.msk [tilespmem:v4+s17+$0x0], $0xffff  }
0x7d: {  	s12 =	sadd.s32 $0xFFFFFFE6, s2;
	v13 =	vor.u32 $0x1, v10;
	v5 =	vld.idx.msk [tilespmem:v5+s17+$0x0], $0xffff  }
0x7e: {  	v16 =	vmov s12;
	v47 =	vor.u32 $0x1, v11;
	v6 =	vld.idx.msk [tilespmem:v6+s17+$0x0], $0xffff  }
0x7f: {  	v51 =	vshll.u32 v16, $0x3;
	v15 =	vor.u32 $0x2, v10;
	v8 =	vld.idx.msk [tilespmem:v8+s17+$0x0], $0xffff  }
0x80: {  	v52 =	vor.u32 v0, v51;
	v14 =	vld.idx.msk [tilespmem:v11+s17+$0x0], $0xffff  }
0x81: {  	v48 =	vor.u32 $0x2, v11;
	v50 =	vld.idx.msk [tilespmem:v10+s17+$0x0], $0xffff  }
0x82: {  	v17 =	vor.u32 $0x1, v52;
	v13 =	vld.idx.msk [tilespmem:v13+s17+$0x0], $0xffff  }
0x83: {  	v3 =	vor.u32 $0x3, v3;
	v7 =	vsub.f32 v7, v9;
	v4 =	vsub.f32 v4, v6;
	v6 =	vld.idx.msk [tilespmem:v47+s17+$0x0], $0xffff  }
0x84: {  	v2 =	vor.u32 $0x3, v2;
	v11 =	vor.u32 $0x3, v11;
	v15 =	vld.idx.msk [tilespmem:v15+s17+$0x0], $0xffff  }
0x85: {  	v57 =	vld.idx.msk [tilespmem:v52+s17+$0x0], $0xffff;
	v5 =	vsub.f32 v5, v8;
	v9 =	vmul.f32 v7, v7;
	v12 =	vmul.f32 v4, v4  }
0x86: {  	v10 =	vor.u32 $0x3, v10;
	v8 =	vld.idx.msk [tilespmem:v48+s17+$0x0], $0xffff  }
0x87: {  	v55 =	vor.u32 $0x2, v52;
	v17 =	vld.idx.msk [tilespmem:v17+s17+$0x0], $0xffff;
	v49 =	vmul.f32 v5, v5;
	v9 =	vadd.f32 v12, v9  }
0x88: {  	v3 =	vld.idx.msk [tilespmem:v3+s17+$0x0], $0xffff;
	v6 =	vsub.f32 v6, v13;
	v13 =	vor.u32 v1, v51  }
0x89: {  	v2 =	vld.idx.msk [tilespmem:v2+s17+$0x0], $0xffff;
	v9 =	vadd.f32 v49, v9;
	v19 =	vor.u32 $0x1, v13  }
0x8a: {  	v11 =	vld.idx.msk [tilespmem:v11+s17+$0x0], $0xffff;
	v12 =	vsub.f32 v14, v50;
	v21 =	vor.u32 $0x2, v13  }
0x8b: {  	v10 =	vld.idx.msk [tilespmem:v10+s17+$0x0], $0xffff;
	v8 =	vsub.f32 v8, v15;
	(erf) = vrcp.f32 v9  }
0x8c: {  	v53 =	vmul.f32 v12, v12;
	v54 =	vmul.f32 v6, v6;
	vm0 =	veq.f32 v9, $0.0e+00;
	v9 =	vld.idx.msk [tilespmem:v55+s17+$0x0], $0xffff  }
0x8d: {  	v23 =	vld.idx.msk [tilespmem:v13+s17+$0x0], $0xffff  }
0x8e: {  	s12 =	sadd.s32 $0xFFFFFFE8, s2;
	v56 =	vmul.f32 v8, v8;
	v15 =	vadd.f32 v54, v53;
	v19 =	vld.idx.msk [tilespmem:v19+s17+$0x0], $0xffff  }
0x8f: {  	v26 =	vmov s12;
	s12 =	sadd.s32 $0xFFFFFFEA, s2;
	v21 =	vld.idx.msk [tilespmem:v21+s17+$0x0], $0xffff  }
0x90: {  	v58 =	vshll.u32 v26, $0x3;
	v43 =	vmov s12;
	v15 =	vadd.f32 v56, v15  }
0x91: {  	v2 =	vsub.f32 v3, v2;
	v14 =	vor.u32 $0x3, v52;
	v10 =	vsub.f32 v11, v10  }
0x92: {  	v13 =	vor.u32 $0x3, v13;
	(erf) = vrcp.f32 v15;
	vm13 =	veq.f32 v15, $0.0e+00  }
0x93: {  	v15 =	vor.u32 v0, v58;
	v16 =	vsub.f32 v57, v23;
	v17 =	vsub.f32 v17, v19  }
0x94: {  	v27 =	vor.u32 $0x1, v15;
	v28 =	vor.u32 $0x2, v15;
	v9 =	vsub.f32 v9, v21;
	v18 =	vpop (erf)  }
0x95: {  	v23 =	vmul.f32 v16, v16;
	v18 =	vsel vm0, $0x3F800000, v18;
	v60 =	vmul.f32 v17, v17  }
0x96: {  	v19 =	vor.u32 v1, v58;
	v61 =	vmul.f32 v9, v9;
	v20 =	vmul.f32 v18, v7  }
0x97: {  	v30 =	vor.u32 $0x1, v19;
	v3 =	vmul.f32 v18, v4;
	v18 =	vmul.f32 v18, v5  }
0x98: {  	v36 =	vor.u32 $0x2, v19;
	v7 =	vmul.f32 v20, v7;
	v22 =	vmul.f32 v20, v4  }
0x99: {  	v23 =	vadd.f32 v60, v23;
	v24 =	vmul.f32 v20, v5;
	v20 =	vmul.f32 v20, v2  }
0x9a: {  	v60 =	vor.u32 $0x3, v15;
	v4 =	vmul.f32 v3, v4;
	v25 =	vmul.f32 v3, v5  }
0x9b: {  	v63 =	vld.idx.msk [tilespmem:v15+s17+$0x0], $0xffff;
	v3 =	vmul.f32 v3, v2;
	v62 =	vadd.f32 v61, v23;
	v7 =	vadd.f32 $0.0e+00, v7  }
0x9c: {  	v28 =	vld.idx.msk [tilespmem:v28+s17+$0x0], $0xffff;
	v5 =	vmul.f32 v18, v5;
	v22 =	vadd.f32 $0.0e+00, v22;
	v24 =	vadd.f32 $0.0e+00, v24  }
0x9d: {  	v2 =	vmul.f32 v18, v2;
	v33 =	vld.idx.msk [tilespmem:v19+s17+$0x0], $0xffff;
	v59 =	vpop (erf);
	v20 =	vadd.f32 $0.0e+00, v20;
	v4 =	vadd.f32 $0.0e+00, v4  }
0x9e: {  	v26 =	vld.idx.msk [tilespmem:v36+s17+$0x0], $0xffff;
	v25 =	vadd.f32 $0.0e+00, v25;
	v3 =	vadd.f32 $0.0e+00, v3;
	v21 =	vsel vm13, $0x3F800000, v59  }
0x9f: {  	v5 =	vadd.f32 $0.0e+00, v5;
	v29 =	vmul.f32 v21, v12;
	v31 =	vmul.f32 v21, v6  }
0xa0: {  	v27 =	vld.idx.msk [tilespmem:v27+s17+$0x0], $0xffff;
	v2 =	vadd.f32 $0.0e+00, v2;
	(erf) = vrcp.f32 v62;
	v21 =	vmul.f32 v21, v8  }
0xa1: {  	v39 =	vld.idx.msk [tilespmem:v30+s17+$0x0], $0xffff;
	vm14 =	veq.f32 v62, $0.0e+00;
	v12 =	vmul.f32 v29, v12;
	v37 =	vmul.f32 v29, v6  }
0xa2: {  	v62 =	vor.u32 $0x3, v19;
	v32 =	vmul.f32 v29, v8;
	v38 =	vmul.f32 v29, v10  }
0xa3: {  	v6 =	vmul.f32 v31, v6;
	v23 =	vsub.f32 v63, v33;
	v18 =	vsub.f32 v28, v26  }
0xa4: {  	v40 =	vmul.f32 v31, v8;
	v7 =	vadd.f32 v12, v7;
	v11 =	vadd.f32 v37, v22  }
0xa5: {  	v14 =	vld.idx.msk [tilespmem:v14+s17+$0x0], $0xffff;
	v41 =	vmul.f32 v31, v10;
	v24 =	vadd.f32 v32, v24;
	v12 =	vadd.f32 v38, v20  }
0xa6: {  	v48 =	vld.idx.msk [tilespmem:v13+s17+$0x0], $0xffff;
	v8 =	vmul.f32 v21, v8;
	v4 =	vadd.f32 v6, v4;
	v22 =	vsub.f32 v27, v39  }
0xa7: {  	v10 =	vmul.f32 v21, v10;
	v42 =	vadd.f32 v40, v25;
	v3 =	vadd.f32 v41, v3  }
0xa8: {  	v20 =	vshll.u32 v43, $0x3;
	v45 =	vmul.f32 v23, v23;
	v46 =	vmul.f32 v22, v22  }
0xa9: {  	v5 =	vadd.f32 v8, v5;
	v2 =	vadd.f32 v10, v2;
	v25 =	vor.u32 v0, v20  }
0xaa: {  	s12 =	sadd.s32 $0xFFFFFFEC, s2;
	v51 =	vmul.f32 v18, v18;
	v20 =	vor.u32 v1, v20;
	v27 =	vadd.f32 v46, v45  }
0xab: {  	v8 =	vsub.f32 v14, v48;
	v37 =	vmov s12;
	v56 =	vor.u32 $0x2, v20;
	v44 =	vpop (erf)  }
0xac: {  	v47 =	vor.u32 $0x1, v25;
	v49 =	vsel vm14, $0x3F800000, v44;
	v27 =	vadd.f32 v51, v27  }
0xad: {  	v53 =	vor.u32 $0x1, v20;
	v52 =	vmul.f32 v49, v16;
	v54 =	vmul.f32 v49, v17  }
0xae: {  	v50 =	vor.u32 $0x2, v25;
	v55 =	vld.idx.msk [tilespmem:v25+s17+$0x0], $0xffff;
	v13 =	vmul.f32 v49, v9;
	(erf) = vrcp.f32 v27  }
0xaf: {  	v30 =	vshll.u32 v37, $0x3;
	v61 =	vld.idx.msk [tilespmem:v20+s17+$0x0], $0xffff;
	v57 =	vmul.f32 v52, v16;
	v58 =	vmul.f32 v52, v17  }
0xb0: {  	v36 =	vld.idx.msk [tilespmem:v56+s17+$0x0], $0xffff;
	v56 =	vor.u32 $0x3, v25;
	v59 =	vmul.f32 v52, v9;
	v21 =	vmul.f32 v52, v8  }
0xb1: {  	v29 =	vld.idx.msk [tilespmem:v47+s17+$0x0], $0xffff;
	vm15 =	veq.f32 v27, $0.0e+00;
	v17 =	vmul.f32 v54, v17;
	v38 =	vmul.f32 v54, v9  }
0xb2: {  	v63 =	vld.idx.msk [tilespmem:v53+s17+$0x0], $0xffff;
	v31 =	vmul.f32 v54, v8;
	v7 =	vadd.f32 v57, v7;
	v11 =	vadd.f32 v58, v11  }
0xb3: {  	v26 =	vld.idx.msk [tilespmem:v50+s17+$0x0], $0xffff;
	v9 =	vmul.f32 v13, v9;
	v14 =	vadd.f32 v59, v24;
	v12 =	vadd.f32 v21, v12  }
0xb4: {  	v8 =	vmul.f32 v13, v8;
	v4 =	vadd.f32 v17, v4;
	v6 =	vadd.f32 v38, v42  }
0xb5: {  	v17 =	vor.u32 v0, v30;
	v3 =	vadd.f32 v31, v3;
	v15 =	vsub.f32 v55, v61  }
0xb6: {  	v10 =	vld.idx.msk [tilespmem:v60+s17+$0x0], $0xffff;
	s12 =	sadd.s32 $0xFFFFFFEE, s2;
	v5 =	vadd.f32 v9, v5;
	v57 =	vor.u32 $0x3, v20;
	v39 =	vor.u32 $0x1, v17  }
0xb7: {  	v16 =	vld.idx.msk [tilespmem:v62+s17+$0x0], $0xffff;
	v58 =	vmov s12;
	v19 =	vsub.f32 v29, v63;
	v40 =	vor.u32 $0x2, v17  }
0xb8: {  	v24 =	vsub.f32 v26, v36;
	v26 =	vor.u32 v1, v30;
	v20 =	vshll.u32 v58, $0x3  }
0xb9: {  	v42 =	vmul.f32 v15, v15;
	v44 =	vor.u32 $0x1, v26;
	v43 =	vmul.f32 v19, v19  }
0xba: {  	v2 =	vadd.f32 v8, v2;
	v46 =	vor.u32 $0x2, v26;
	v25 =	vor.u32 v0, v20;
	v45 =	vld.idx.msk [tilespmem:v17+s17+$0x0], $0xffff  }
0xbb: {  	v20 =	vor.u32 v1, v20;
	v47 =	vmul.f32 v24, v24;
	v29 =	vadd.f32 v43, v42;
	v41 =	vpop (erf);
	v21 =	vld.idx.msk [tilespmem:v39+s17+$0x0], $0xffff  }
0xbc: {  	v10 =	vsub.f32 v10, v16;
	v61 =	vor.u32 $0x1, v25;
	v49 =	vld.idx.msk [tilespmem:v40+s17+$0x0], $0xffff;
	v27 =	vsel vm15, $0x3F800000, v41  }
0xbd: {  	v62 =	vor.u32 $0x2, v25;
	v51 =	vld.idx.msk [tilespmem:v26+s17+$0x0], $0xffff;
	v50 =	vadd.f32 v47, v29;
	v34 =	vmul.f32 v27, v23  }
0xbe: {  	v37 =	vor.u32 $0x1, v20;
	v31 =	vld.idx.msk [tilespmem:v44+s17+$0x0], $0xffff;
	v48 =	vmul.f32 v27, v22;
	v27 =	vmul.f32 v27, v18  }
0xbf: {  	v39 =	vor.u32 $0x2, v20;
	v33 =	vld.idx.msk [tilespmem:v46+s17+$0x0], $0xffff;
	(erf) = vrcp.f32 v50;
	v23 =	vmul.f32 v34, v23  }
0xc0: {  	v38 =	vld.idx.msk [tilespmem:v25+s17+$0x0], $0xffff;
	v25 =	vor.u32 $0x3, v25;
	v52 =	vmul.f32 v34, v22;
	v53 =	vmul.f32 v34, v18  }
0xc1: {  	vm4 =	veq.f32 v50, $0.0e+00;
	v54 =	vmul.f32 v34, v10;
	v55 =	vmul.f32 v48, v22  }
0xc2: {  	v41 =	vld.idx.msk [tilespmem:v61+s17+$0x0], $0xffff;
	v59 =	vmul.f32 v48, v18;
	v13 =	vmul.f32 v48, v10;
	v22 =	vsub.f32 v45, v51  }
0xc3: {  	v32 =	vld.idx.msk [tilespmem:v37+s17+$0x0], $0xffff;
	v18 =	vmul.f32 v27, v18;
	v7 =	vadd.f32 v23, v7;
	v21 =	vsub.f32 v21, v31  }
0xc4: {  	v10 =	vmul.f32 v27, v10;
	v9 =	vadd.f32 v52, v11;
	v14 =	vadd.f32 v53, v14  }
0xc5: {  	v44 =	vld.idx.msk [tilespmem:v20+s17+$0x0], $0xffff;
	v16 =	vsub.f32 v49, v33;
	v29 =	vmul.f32 v22, v22;
	v60 =	vmul.f32 v21, v21  }
0xc6: {  	v51 =	vor.u32 $0x3, v17;
	v8 =	vadd.f32 v54, v12;
	v4 =	vadd.f32 v55, v4;
	v12 =	vld.idx.msk [tilespmem:v56+s17+$0x0], $0xffff  }
0xc7: {  	v6 =	vadd.f32 v59, v6;
	v11 =	vld.idx.msk [tilespmem:v57+s17+$0x0], $0xffff;
	v63 =	vmul.f32 v16, v16;
	v29 =	vadd.f32 v60, v29  }
0xc8: {  	v3 =	vadd.f32 v13, v3;
	v52 =	vor.u32 $0x3, v26;
	v26 =	vsub.f32 v41, v32;
	v36 =	vpop (erf)  }
0xc9: {  	v5 =	vadd.f32 v18, v5;
	v29 =	vadd.f32 v63, v29;
	v28 =	vsel vm4, $0x3F800000, v36  }
0xca: {  	v48 =	vld.idx.msk [tilespmem:v39+s17+$0x0], $0xffff;
	v17 =	vsub.f32 v38, v44;
	v55 =	vmul.f32 v26, v26;
	v40 =	vmul.f32 v28, v15  }
0xcb: {  	v23 =	vld.idx.msk [tilespmem:v62+s17+$0x0], $0xffff;
	v2 =	vadd.f32 v10, v2;
	v42 =	vmul.f32 v28, v19;
	(erf) = vrcp.f32 v29  }
0xcc: {  	s12 =	sadd.s32 $0xFFFFFFF0, s2;
	v11 =	vsub.f32 v12, v11;
	v43 =	vmul.f32 v28, v24;
	v28 =	vmul.f32 v17, v17  }
0xcd: {  	v53 =	vmov s12;
	v15 =	vmul.f32 v40, v15;
	v45 =	vmul.f32 v40, v19  }
0xce: {  	v44 =	vor.u32 $0x3, v20;
	v46 =	vmul.f32 v40, v24;
	v13 =	vmul.f32 v40, v11  }
0xcf: {  	vm5 =	veq.f32 v29, $0.0e+00;
	v47 =	vmul.f32 v42, v19;
	v50 =	vmul.f32 v42, v24  }
0xd0: {  	v19 =	vsub.f32 v23, v48;
	v18 =	vmul.f32 v42, v11;
	v28 =	vadd.f32 v55, v28  }
0xd1: {  	v24 =	vmul.f32 v43, v24;
	v11 =	vmul.f32 v43, v11;
	v7 =	vadd.f32 v15, v7  }
0xd2: {  	v9 =	vadd.f32 v45, v9;
	v8 =	vadd.f32 v13, v8;
	v15 =	vshll.u32 v53, $0x3;
	v13 =	vld.idx.msk [tilespmem:v51+s17+$0x0], $0xffff  }
0xd3: {  	v49 =	vadd.f32 v46, v14;
	v4 =	vadd.f32 v47, v4;
	v14 =	vld.idx.msk [tilespmem:v52+s17+$0x0], $0xffff;
	v23 =	vor.u32 v0, v15  }
0xd4: {  	v6 =	vadd.f32 v50, v6;
	v58 =	vmul.f32 v19, v19;
	v46 =	vld.idx.msk [tilespmem:v25+s17+$0x0], $0xffff;
	v15 =	vor.u32 v1, v15  }
0xd5: {  	v3 =	vadd.f32 v18, v3;
	v5 =	vadd.f32 v24, v5;
	v18 =	vld.idx.msk [tilespmem:v44+s17+$0x0], $0xffff;
	v56 =	vor.u32 $0x1, v23  }
0xd6: {  	s12 =	sadd.s32 $0xFFFFFFF2, s2;
	v2 =	vadd.f32 v11, v2;
	v57 =	vor.u32 $0x2, v23;
	v61 =	vadd.f32 v58, v28;
	v54 =	vpop (erf)  }
0xd7: {  	v45 =	vmov s12;
	v60 =	vor.u32 $0x1, v15;
	v27 =	vsel vm5, $0x3F800000, v54  }
0xd8: {  	v63 =	vor.u32 $0x2, v15;
	(erf) = vrcp.f32 v61;
	v62 =	vld.idx.msk [tilespmem:v23+s17+$0x0], $0xffff;
	v59 =	vmul.f32 v27, v22  }
0xd9: {  	v13 =	vsub.f32 v13, v14;
	v40 =	vld.idx.msk [tilespmem:v15+s17+$0x0], $0xffff;
	v38 =	vmul.f32 v27, v21;
	v27 =	vmul.f32 v27, v16  }
0xda: {  	v18 =	vsub.f32 v46, v18;
	v35 =	vld.idx.msk [tilespmem:v56+s17+$0x0], $0xffff;
	v34 =	vmul.f32 v59, v22;
	v36 =	vmul.f32 v59, v21  }
0xdb: {  	v23 =	vor.u32 $0x3, v23;
	v37 =	vld.idx.msk [tilespmem:v57+s17+$0x0], $0xffff;
	v39 =	vmul.f32 v59, v16;
	v42 =	vmul.f32 v59, v13  }
0xdc: {  	v15 =	vor.u32 $0x3, v15;
	v41 =	vld.idx.msk [tilespmem:v60+s17+$0x0], $0xffff;
	v21 =	vmul.f32 v38, v21;
	v43 =	vmul.f32 v38, v16  }
0xdd: {  	v29 =	vld.idx.msk [tilespmem:v63+s17+$0x0], $0xffff;
	v14 =	vmul.f32 v38, v13;
	v7 =	vadd.f32 v34, v7;
	v9 =	vadd.f32 v36, v9  }
0xde: {  	v16 =	vmul.f32 v27, v16;
	v10 =	vadd.f32 v39, v49;
	v8 =	vadd.f32 v42, v8  }
0xdf: {  	v13 =	vmul.f32 v27, v13;
	v4 =	vadd.f32 v21, v4;
	v6 =	vadd.f32 v43, v6  }
0xe0: {  	vm6 =	veq.f32 v61, $0.0e+00;
	v3 =	vadd.f32 v14, v3;
	v20 =	vsub.f32 v62, v40  }
0xe1: {  	s12 =	sadd.s32 $0xFFFFFFF4, s2;
	v14 =	vshll.u32 v45, $0x3;
	v5 =	vadd.f32 v16, v5;
	v2 =	vadd.f32 v13, v2  }
0xe2: {  	v39 =	vmov s12;
	v23 =	vld.idx.msk [tilespmem:v23+s17+$0x0], $0xffff;
	v11 =	vsub.f32 v35, v41;
	v12 =	vsub.f32 v37, v29  }
0xe3: {  	v15 =	vld.idx.msk [tilespmem:v15+s17+$0x0], $0xffff;
	v21 =	vor.u32 v0, v14;
	v14 =	vor.u32 v1, v14;
	v40 =	vshll.u32 v39, $0x3  }
0xe4: {  	v48 =	vmul.f32 v20, v20;
	v50 =	vor.u32 $0x1, v21;
	v51 =	vor.u32 $0x2, v21;
	v47 =	vpop (erf)  }
0xe5: {  	v54 =	vor.u32 $0x1, v14;
	v49 =	vmul.f32 v11, v11;
	v24 =	vsel vm6, $0x3F800000, v47  }
0xe6: {  	v57 =	vor.u32 $0x2, v14;
	v52 =	vmul.f32 v12, v12;
	v53 =	vmul.f32 v24, v17  }
0xe7: {  	v25 =	vadd.f32 v49, v48;
	v61 =	vmul.f32 v24, v26;
	v24 =	vmul.f32 v24, v19  }
0xe8: {  	v15 =	vsub.f32 v23, v15;
	v58 =	vmul.f32 v53, v17;
	v59 =	vmul.f32 v53, v26  }
0xe9: {  	v62 =	vld.idx.msk [tilespmem:v14+s17+$0x0], $0xffff;
	v14 =	vor.u32 $0x3, v14;
	v60 =	vmul.f32 v53, v19;
	v63 =	vmul.f32 v53, v18  }
0xea: {  	v56 =	vld.idx.msk [tilespmem:v21+s17+$0x0], $0xffff;
	v55 =	vadd.f32 v52, v25;
	v26 =	vmul.f32 v61, v26;
	v37 =	vmul.f32 v61, v19  }
0xeb: {  	v29 =	vld.idx.msk [tilespmem:v50+s17+$0x0], $0xffff;
	v38 =	vmul.f32 v61, v18;
	v17 =	vor.u32 v1, v40;
	v19 =	vmul.f32 v24, v19  }
0xec: {  	v36 =	vld.idx.msk [tilespmem:v54+s17+$0x0], $0xffff;
	v18 =	vmul.f32 v24, v18;
	(erf) = vrcp.f32 v55;
	v7 =	vadd.f32 v58, v7  }
0xed: {  	v30 =	vld.idx.msk [tilespmem:v51+s17+$0x0], $0xffff;
	v46 =	vor.u32 $0x1, v17;
	v9 =	vadd.f32 v59, v9;
	v10 =	vadd.f32 v60, v10  }
0xee: {  	v28 =	vld.idx.msk [tilespmem:v57+s17+$0x0], $0xffff;
	v49 =	vor.u32 $0x2, v17;
	v8 =	vadd.f32 v63, v8;
	v4 =	vadd.f32 v26, v4  }
0xef: {  	v6 =	vadd.f32 v37, v6;
	v3 =	vadd.f32 v38, v3;
	v26 =	vor.u32 v0, v40  }
0xf0: {  	s12 =	sadd.s32 $0xFFFFFFF6, s2;
	vm7 =	veq.f32 v55, $0.0e+00;
	v5 =	vadd.f32 v19, v5;
	v41 =	vor.u32 $0x1, v26  }
0xf1: {  	v59 =	vmov s12;
	v13 =	vsub.f32 v56, v62;
	v22 =	vsub.f32 v29, v36  }
0xf2: {  	v2 =	vadd.f32 v18, v2;
	v58 =	vor.u32 $0x3, v21;
	v18 =	vshll.u32 v59, $0x3  }
0xf3: {  	v16 =	vsub.f32 v30, v28;
	v44 =	vmul.f32 v13, v13;
	v45 =	vmul.f32 v22, v22  }
0xf4: {  	v42 =	vor.u32 $0x2, v26;
	v24 =	vor.u32 v0, v18;
	v18 =	vor.u32 v1, v18;
	v31 =	vld.idx.msk [tilespmem:v46+s17+$0x0], $0xffff  }
0xf5: {  	v63 =	vor.u32 $0x1, v24;
	v47 =	vmul.f32 v16, v16;
	v51 =	vld.idx.msk [tilespmem:v41+s17+$0x0], $0xffff;
	v29 =	vadd.f32 v45, v44;
	v43 =	vpop (erf)  }
0xf6: {  	v14 =	vld.idx.msk [tilespmem:v14+s17+$0x0], $0xffff;
	v36 =	vor.u32 $0x2, v24;
	v40 =	vor.u32 $0x1, v18;
	v28 =	vsel vm7, $0x3F800000, v43  }
0xf7: {  	v54 =	vld.idx.msk [tilespmem:v17+s17+$0x0], $0xffff;
	v17 =	vor.u32 $0x3, v17;
	v29 =	vadd.f32 v47, v29;
	v50 =	vmul.f32 v28, v20  }
0xf8: {  	v48 =	vld.idx.msk [tilespmem:v26+s17+$0x0], $0xffff;
	v26 =	vor.u32 $0x3, v26;
	v52 =	vmul.f32 v28, v11;
	v28 =	vmul.f32 v28, v12  }
0xf9: {  	v56 =	vld.idx.msk [tilespmem:v49+s17+$0x0], $0xffff;
	v43 =	vor.u32 $0x2, v18;
	(erf) = vrcp.f32 v29;
	v20 =	vmul.f32 v50, v20  }
0xfa: {  	v27 =	vld.idx.msk [tilespmem:v42+s17+$0x0], $0xffff;
	v21 =	vsub.f32 v51, v31;
	v53 =	vmul.f32 v50, v11;
	v55 =	vmul.f32 v50, v12  }
0xfb: {  	v44 =	vld.idx.msk [tilespmem:v63+s17+$0x0], $0xffff;
	vm8 =	veq.f32 v29, $0.0e+00;
	v19 =	vmul.f32 v50, v15;
	v11 =	vmul.f32 v52, v11  }
0xfc: {  	v45 =	vld.idx.msk [tilespmem:v36+s17+$0x0], $0xffff;
	v57 =	vmul.f32 v52, v12;
	v7 =	vadd.f32 v20, v7;
	v9 =	vadd.f32 v53, v9  }
0xfd: {  	v60 =	vmul.f32 v52, v15;
	v50 =	vld.idx.msk [tilespmem:v40+s17+$0x0], $0xffff;
	v10 =	vadd.f32 v55, v10;
	v8 =	vadd.f32 v19, v8  }
0xfe: {  	v12 =	vmul.f32 v28, v12;
	v4 =	vadd.f32 v11, v4;
	v6 =	vadd.f32 v57, v6;
	v11 =	vld.idx.msk [tilespmem:v58+s17+$0x0], $0xffff  }
0xff: {  	v15 =	vmul.f32 v28, v15;
	v19 =	vsub.f32 v48, v54;
	v20 =	vsub.f32 v27, v56;
	v52 =	vld.idx.msk [tilespmem:v43+s17+$0x0], $0xffff  }
0x100: {  	s12 =	sadd.s32 $0xFFFFFFF8, s2;
	v62 =	vmul.f32 v21, v21;
	v3 =	vadd.f32 v60, v3;
	v5 =	vadd.f32 v12, v5  }
0x101: {  	v2 =	vadd.f32 v15, v2;
	v55 =	vmov s12;
	v61 =	vmul.f32 v19, v19  }
0x102: {  	v38 =	vmul.f32 v20, v20;
	v12 =	vsub.f32 v44, v50;
	v50 =	vor.u32 $0x3, v18  }
0x103: {  	s12 =	sadd.s32 $0xFFFFFFFA, s2;
	v25 =	vadd.f32 v62, v61;
	v11 =	vsub.f32 v11, v14;
	v14 =	vshll.u32 v55, $0x3  }
0x104: {  	v37 =	vpop (erf);
	v15 =	vsub.f32 v45, v52;
	v58 =	vmul.f32 v12, v12;
	v52 =	vmov s12  }
0x105: {  	v39 =	vsel vm8, $0x3F800000, v37;
	v25 =	vadd.f32 v38, v25;
	v23 =	vor.u32 v0, v14  }
0x106: {  	v48 =	vld.idx.msk [tilespmem:v18+s17+$0x0], $0xffff;
	v14 =	vor.u32 v1, v14;
	v18 =	vshll.u32 v52, $0x3;
	v41 =	vmul.f32 v39, v13  }
0x107: {  	v42 =	vld.idx.msk [tilespmem:v24+s17+$0x0], $0xffff;
	v46 =	vmul.f32 v39, v22;
	v28 =	vmul.f32 v39, v16;
	v59 =	vor.u32 $0x1, v23  }
0x108: {  	v62 =	vor.u32 $0x2, v23;
	v63 =	vmul.f32 v15, v15;
	(erf) = vrcp.f32 v25  }
0x109: {  	v37 =	vor.u32 $0x1, v14;
	v13 =	vmul.f32 v41, v13;
	v47 =	vmul.f32 v41, v22  }
0x10a: {  	v39 =	vor.u32 $0x2, v14;
	v49 =	vmul.f32 v41, v16;
	v22 =	vmul.f32 v46, v22  }
0x10b: {  	v56 =	vld.idx.msk [tilespmem:v26+s17+$0x0], $0xffff;
	vm9 =	veq.f32 v25, $0.0e+00;
	v51 =	vmul.f32 v41, v11;
	v53 =	vmul.f32 v46, v16  }
0x10c: {  	v60 =	vld.idx.msk [tilespmem:v17+s17+$0x0], $0xffff;
	v54 =	vmul.f32 v46, v11;
	v4 =	vadd.f32 v22, v4;
	v22 =	vsub.f32 v42, v48  }
0x10d: {  	v16 =	vmul.f32 v28, v16;
	v7 =	vadd.f32 v13, v7;
	v9 =	vadd.f32 v47, v9  }
0x10e: {  	v10 =	vadd.f32 v49, v10;
	v8 =	vadd.f32 v51, v8;
	v38 =	vld.idx.msk [tilespmem:v23+s17+$0x0], $0xffff;
	v27 =	vmul.f32 v22, v22  }
0x10f: {  	v11 =	vmul.f32 v28, v11;
	v6 =	vadd.f32 v53, v6;
	v3 =	vadd.f32 v54, v3;
	v44 =	vld.idx.msk [tilespmem:v14+s17+$0x0], $0xffff  }
0x110: {  	v25 =	vor.u32 v0, v18;
	v5 =	vadd.f32 v16, v5;
	v30 =	vld.idx.msk [tilespmem:v59+s17+$0x0], $0xffff;
	v27 =	vadd.f32 v58, v27  }
0x111: {  	v18 =	vor.u32 v1, v18;
	v13 =	vsub.f32 v56, v60;
	v2 =	vadd.f32 v11, v2;
	v26 =	vld.idx.msk [tilespmem:v62+s17+$0x0], $0xffff;
	v57 =	vpop (erf)  }
0x112: {  	v49 =	vor.u32 $0x3, v24;
	v29 =	vld.idx.msk [tilespmem:v39+s17+$0x0], $0xffff;
	v27 =	vadd.f32 v63, v27;
	v61 =	vsel vm9, $0x3F800000, v57  }
0x113: {  	v56 =	vor.u32 $0x1, v25;
	v14 =	vor.u32 $0x3, v14;
	v46 =	vld.idx.msk [tilespmem:v37+s17+$0x0], $0xffff;
	v36 =	vmul.f32 v61, v19  }
0x114: {  	v59 =	vor.u32 $0x2, v25;
	v40 =	vmul.f32 v61, v21;
	(erf) = vrcp.f32 v27  }
0x115: {  	v62 =	vor.u32 $0x1, v18;
	v42 =	vmul.f32 v61, v20;
	v19 =	vmul.f32 v36, v19  }
0x116: {  	v37 =	vor.u32 $0x2, v18;
	v41 =	vmul.f32 v36, v21;
	v43 =	vmul.f32 v36, v20  }
0x117: {  	v24 =	vsub.f32 v26, v29;
	v47 =	vmul.f32 v40, v21;
	v48 =	vmul.f32 v40, v20  }
0x118: {  	v51 =	vmul.f32 v42, v20;
	v20 =	vsub.f32 v38, v44;
	v21 =	vsub.f32 v30, v46  }
0x119: {  	vm10 =	veq.f32 v27, $0.0e+00;
	v45 =	vmul.f32 v36, v13;
	v7 =	vadd.f32 v19, v7  }
0x11a: {  	v36 =	vld.idx.msk [tilespmem:v25+s17+$0x0], $0xffff;
	v9 =	vadd.f32 v41, v9;
	v54 =	vmul.f32 v20, v20;
	v55 =	vmul.f32 v21, v21  }
0x11b: {  	v16 =	vmul.f32 v40, v13;
	v10 =	vadd.f32 v43, v10;
	v8 =	vadd.f32 v45, v8;
	v41 =	vld.idx.msk [tilespmem:v18+s17+$0x0], $0xffff  }
0x11c: {  	v57 =	vld.idx.msk [tilespmem:v50+s17+$0x0], $0xffff;
	v60 =	vmul.f32 v24, v24;
	v4 =	vadd.f32 v47, v4;
	v27 =	vadd.f32 v55, v54  }
0x11d: {  	v11 =	vmul.f32 v42, v13;
	v6 =	vadd.f32 v48, v6;
	v3 =	vadd.f32 v16, v3;
	v19 =	vld.idx.msk [tilespmem:v49+s17+$0x0], $0xffff  }
0x11e: {  	s12 =	sadd.s32 $0xFFFFFFFC, s2;
	v42 =	vor.u32 $0x3, v23;
	v5 =	vadd.f32 v51, v5;
	v27 =	vadd.f32 v60, v27;
	v53 =	vpop (erf)  }
0x11f: {  	v2 =	vadd.f32 v11, v2;
	v48 =	vmov s12;
	v58 =	vsel vm10, $0x3F800000, v53  }
0x120: {  	v11 =	vsub.f32 v36, v41;
	(erf) = vrcp.f32 v27;
	v61 =	vmul.f32 v58, v22  }
0x121: {  	v18 =	vor.u32 $0x3, v18;
	v63 =	vmul.f32 v58, v12;
	v17 =	vmul.f32 v58, v15  }
0x122: {  	v16 =	vsub.f32 v19, v57;
	v50 =	vmul.f32 v11, v11;
	v38 =	vmul.f32 v61, v22  }
0x123: {  	v14 =	vld.idx.msk [tilespmem:v14+s17+$0x0], $0xffff;
	s12 =	sadd.s32 $0xFFFFFFFE, s2;
	v19 =	vshll.u32 v48, $0x3;
	v39 =	vmul.f32 v61, v12;
	v40 =	vmul.f32 v61, v15  }
0x124: {  	v29 =	vld.idx.msk [tilespmem:v56+s17+$0x0], $0xffff;
	v41 =	vmov s12;
	v13 =	vmul.f32 v61, v16;
	v12 =	vmul.f32 v63, v12  }
0x125: {  	v43 =	vld.idx.msk [tilespmem:v62+s17+$0x0], $0xffff;
	vm11 =	veq.f32 v27, $0.0e+00;
	v44 =	vmul.f32 v63, v15;
	v46 =	vmul.f32 v63, v16  }
0x126: {  	v26 =	vld.idx.msk [tilespmem:v59+s17+$0x0], $0xffff;
	v28 =	vshll.u32 v41, $0x3;
	v15 =	vmul.f32 v17, v15;
	v16 =	vmul.f32 v17, v16  }
0x127: {  	v45 =	vld.idx.msk [tilespmem:v37+s17+$0x0], $0xffff;
	v22 =	vor.u32 v0, v19;
	v19 =	vor.u32 v1, v19;
	v7 =	vadd.f32 v38, v7  }
0x128: {  	v47 =	vld.idx.msk [tilespmem:v42+s17+$0x0], $0xffff;
	v54 =	vor.u32 $0x1, v22;
	v9 =	vadd.f32 v39, v9;
	v10 =	vadd.f32 v40, v10  }
0x129: {  	v56 =	vor.u32 $0x2, v22;
	v8 =	vadd.f32 v13, v8;
	v4 =	vadd.f32 v12, v4  }
0x12a: {  	v59 =	vor.u32 $0x1, v19;
	v6 =	vadd.f32 v44, v6;
	v13 =	vsub.f32 v29, v43  }
0x12b: {  	v62 =	vor.u32 $0x2, v19;
	v3 =	vadd.f32 v46, v3;
	v5 =	vadd.f32 v15, v5  }
0x12c: {  	v15 =	vsub.f32 v26, v45;
	v2 =	vadd.f32 v16, v2;
	v51 =	vmul.f32 v13, v13  }
0x12d: {  	v12 =	vsub.f32 v47, v14;
	v38 =	vor.u32 $0x3, v25;
	v14 =	vor.u32 v1, v28;
	v49 =	vpop (erf)  }
0x12e: {  	v53 =	vmul.f32 v15, v15;
	v61 =	vld.idx.msk [tilespmem:v22+s17+$0x0], $0xffff;
	v23 =	vadd.f32 v51, v50;
	v52 =	vsel vm11, $0x3F800000, v49  }
0x12f: {  	v46 =	vor.u32 $0x1, v14;
	v39 =	vld.idx.msk [tilespmem:v19+s17+$0x0], $0xffff;
	v22 =	vor.u32 $0x3, v22;
	v55 =	vmul.f32 v52, v20  }
0x130: {  	v36 =	vld.idx.msk [tilespmem:v56+s17+$0x0], $0xffff;
	v57 =	vadd.f32 v53, v23;
	v63 =	vmul.f32 v52, v21;
	v17 =	vmul.f32 v52, v24  }
0x131: {  	v19 =	vor.u32 $0x3, v19;
	v31 =	vld.idx.msk [tilespmem:v62+s17+$0x0], $0xffff;
	v20 =	vmul.f32 v55, v20;
	v58 =	vmul.f32 v55, v21  }
0x132: {  	v35 =	vld.idx.msk [tilespmem:v54+s17+$0x0], $0xffff;
	v51 =	vor.u32 $0x2, v14;
	v60 =	vmul.f32 v55, v24;
	(erf) = vrcp.f32 v57  }
0x133: {  	v26 =	vld.idx.msk [tilespmem:v59+s17+$0x0], $0xffff;
	v53 =	vmov s2;
	v16 =	vmul.f32 v55, v12;
	v37 =	vmul.f32 v63, v21  }
0x134: {  	v18 =	vld.idx.msk [tilespmem:v18+s17+$0x0], $0xffff;
	v33 =	vshll.u32 v53, $0x3;
	v40 =	vmul.f32 v63, v24;
	v42 =	vmul.f32 v63, v12  }
0x135: {  	v44 =	vld.idx.msk [tilespmem:v38+s17+$0x0], $0xffff;
	v24 =	vmul.f32 v17, v24;
	v12 =	vmul.f32 v17, v12;
	vm12 =	veq.f32 v57, $0.0e+00  }
0x136: {  	v25 =	vsub.f32 v61, v39;
	v55 =	vld.idx.msk [tilespmem:v14+s17+$0x0], $0xffff;
	v14 =	vor.u32 $0x3, v14;
	v23 =	vsub.f32 v36, v31  }
0x137: {  	v7 =	vadd.f32 v20, v7;
	v8 =	vadd.f32 v16, v8;
	v16 =	vor.u32 v0, v28  }
0x138: {  	v57 =	vld.idx.msk [tilespmem:v46+s17+$0x0], $0xffff;
	v9 =	vadd.f32 v58, v9;
	v20 =	vsub.f32 v35, v26;
	v43 =	vor.u32 $0x1, v16  }
0x139: {  	v22 =	vld.idx.msk [tilespmem:v22+s17+$0x0], $0xffff;
	v10 =	vadd.f32 v60, v10;
	v48 =	vmul.f32 v25, v25;
	v47 =	vor.u32 $0x2, v16  }
0x13a: {  	v19 =	vld.idx.msk [tilespmem:v19+s17+$0x0], $0xffff;
	v56 =	vsub.f32 v44, v18;
	v18 =	vor.u32 v0, v33;
	v49 =	vmul.f32 v20, v20  }
0x13b: {  	v31 =	vld.idx.msk [tilespmem:v51+s17+$0x0], $0xffff;
	v4 =	vadd.f32 v37, v4;
	v6 =	vadd.f32 v40, v6;
	v33 =	vor.u32 v1, v33  }
0x13c: {  	v54 =	vmul.f32 v23, v23;
	v36 =	vor.u32 $0x2, v18;
	v28 =	vadd.f32 v49, v48;
	v50 =	vld.idx.msk [tilespmem:v16+s17+$0x0], $0xffff  }
0x13d: {  	v3 =	vadd.f32 v42, v3;
	v5 =	vadd.f32 v24, v5;
	v40 =	vor.u32 $0x2, v33;
	v24 =	vld.idx.msk [tilespmem:v43+s17+$0x0], $0xffff  }
0x13e: {  	v2 =	vadd.f32 v12, v2;
	v59 =	vor.u32 $0x1, v18;
	v58 =	vadd.f32 v54, v28;
	v27 =	vld.idx.msk [tilespmem:v47+s17+$0x0], $0xffff;
	v45 =	vpop (erf)  }
0x13f: {  	v61 =	vor.u32 $0x1, v33;
	v19 =	vsub.f32 v22, v19;
	v63 =	vld.idx.msk [tilespmem:v18+s17+$0x0], $0xffff;
	v21 =	vsel vm12, $0x3F800000, v45  }
0x140: {  	v37 =	vld.idx.msk [tilespmem:v33+s17+$0x0], $0xffff;
	v16 =	vor.u32 $0x3, v16;
	(erf) = vrcp.f32 v58;
	v52 =	vmul.f32 v21, v11  }
0x141: {  	v18 =	vor.u32 $0x3, v18;
	v36 =	vld.idx.msk [tilespmem:v36+s17+$0x0], $0xffff;
	v60 =	vmul.f32 v21, v13;
	v45 =	vmul.f32 v21, v15  }
0x142: {  	v46 =	vld.idx.msk [tilespmem:v40+s17+$0x0], $0xffff;
	v30 =	vsub.f32 v50, v55;
	v11 =	vmul.f32 v52, v11;
	v17 =	vsub.f32 v24, v57  }
0x143: {  	v28 =	vld.idx.msk [tilespmem:v59+s17+$0x0], $0xffff;
	v35 =	vmul.f32 v52, v13;
	v62 =	vmul.f32 v52, v15;
	v27 =	vsub.f32 v27, v31  }
0x144: {  	v41 =	vmul.f32 v30, v30;
	v7 =	vadd.f32 v11, v7;
	v42 =	vmul.f32 v17, v17;
	v11 =	vld.idx.msk [tilespmem:v61+s17+$0x0], $0xffff  }
0x145: {  	vm13 =	veq.f32 v58, $0.0e+00;
	v32 =	vmul.f32 v52, v56;
	v13 =	vmul.f32 v60, v13  }
0x146: {  	v43 =	vmul.f32 v60, v15;
	v44 =	vmul.f32 v27, v27;
	v31 =	vadd.f32 v42, v41  }
0x147: {  	v29 =	vmul.f32 v60, v56;
	v24 =	vsub.f32 v63, v37;
	v50 =	vsub.f32 v36, v46  }
0x148: {  	v15 =	vmul.f32 v45, v15;
	v9 =	vadd.f32 v35, v9;
	v47 =	vadd.f32 v44, v31  }
0x149: {  	v12 =	vmul.f32 v45, v56;
	v10 =	vadd.f32 v62, v10;
	v11 =	vsub.f32 v28, v11  }
0x14a: {  	v8 =	vadd.f32 v32, v8;
	v4 =	vadd.f32 v13, v4;
	v48 =	vpop (erf);
	(erf) = vrcp.f32 v47  }
0x14b: {  	v51 =	vmul.f32 v24, v24;
	v26 =	vsel vm13, $0x3F800000, v48;
	v28 =	vmul.f32 v11, v11  }
0x14c: {  	v6 =	vadd.f32 v43, v6;
	v3 =	vadd.f32 v29, v3;
	v49 =	vmul.f32 v26, v25  }
0x14d: {  	v53 =	vmul.f32 v50, v50;
	v56 =	vmul.f32 v26, v20;
	v21 =	vadd.f32 v28, v51  }
0x14e: {  	v5 =	vadd.f32 v15, v5;
	v57 =	vmul.f32 v26, v23;
	v52 =	vmul.f32 v49, v25  }
0x14f: {  	v54 =	vmul.f32 v49, v20;
	v55 =	vmul.f32 v49, v23;
	v21 =	vadd.f32 v53, v21  }
0x150: {  	v13 =	vmul.f32 v49, v19;
	v20 =	vmul.f32 v56, v20;
	v25 =	vor.u32 $0x3, v33  }
0x151: {  	v14 =	vld.idx.msk [tilespmem:v14+s17+$0x0], $0xffff;
	v2 =	vadd.f32 v12, v2;
	v60 =	vmul.f32 v56, v23;
	(erf) = vrcp.f32 v21  }
0x152: {  	v58 =	vld.idx.msk [tilespmem:v16+s17+$0x0], $0xffff;
	vm14 =	veq.f32 v47, $0.0e+00;
	v12 =	vmul.f32 v56, v19;
	v23 =	vmul.f32 v57, v23  }
0x153: {  	v19 =	vmul.f32 v57, v19;
	v7 =	vadd.f32 v52, v7;
	v9 =	vadd.f32 v54, v9;
	v59 =	vpop (erf)  }
0x154: {  	v18 =	vld.idx.msk [tilespmem:v18+s17+$0x0], $0xffff;
	v10 =	vadd.f32 v55, v10;
	v8 =	vadd.f32 v13, v8;
	v16 =	vsel vm14, $0x3F800000, v59  }
0x155: {  	v4 =	vadd.f32 v20, v4;
	v2 =	vadd.f32 v19, v2;
	v19 =	vld.idx.msk [tilespmem:v25+s17+$0x0], $0xffff;
	v61 =	vmul.f32 v16, v30  }
0x156: {  	v6 =	vadd.f32 v60, v6;
	v3 =	vadd.f32 v12, v3;
	v63 =	vmul.f32 v16, v17  }
0x157: {  	v13 =	vsub.f32 v58, v14;
	v16 =	vmul.f32 v16, v27;
	v62 =	vmul.f32 v61, v30  }
0x158: {  	v5 =	vadd.f32 v23, v5;
	v22 =	vmul.f32 v61, v17;
	v23 =	vmul.f32 v61, v27  }
0x159: {  	vm15 =	veq.f32 v21, $0.0e+00;
	v26 =	vmul.f32 v61, v13;
	v17 =	vmul.f32 v63, v17  }
0x15a: {  	v38 =	vsub.f32 v18, v19;
	v29 =	vmul.f32 v63, v27;
	v30 =	vmul.f32 v63, v13;
	v28 =	vpop (erf)  }
0x15b: {  	v32 =	vmul.f32 v16, v27;
	v7 =	vadd.f32 v62, v7;
	v20 =	vsel vm15, $0x3F800000, v28  }
0x15c: {  	v9 =	vadd.f32 v22, v9;
	v10 =	vadd.f32 v23, v10;
	v31 =	vmul.f32 v20, v11  }
0x15d: {  	v8 =	vadd.f32 v26, v8;
	v4 =	vadd.f32 v17, v4;
	v33 =	vmul.f32 v20, v50  }
0x15e: {  	v6 =	vadd.f32 v29, v6;
	v20 =	vmul.f32 v20, v24;
	v34 =	vmul.f32 v31, v11  }
0x15f: {  	v5 =	vadd.f32 v32, v5;
	v35 =	vmul.f32 v31, v50;
	v36 =	vmul.f32 v33, v50  }
0x160: {  	v11 =	vmul.f32 v20, v11;
	v15 =	vmul.f32 v20, v50;
	v4 =	vadd.f32 v34, v4  }
0x161: {  	v13 =	vmul.f32 v16, v13;
	v6 =	vadd.f32 v35, v6;
	v5 =	vadd.f32 v36, v5  }
0x162: {  	v37 =	vmul.f32 v20, v24;
	v9 =	vadd.f32 v11, v9;
	v10 =	vadd.f32 v15, v10  }
0x163: {  	v3 =	vadd.f32 v30, v3;
	v39 =	vmul.f32 v5, v4;
	v17 =	vmul.f32 v6, v6  }
0x164: {  	v2 =	vadd.f32 v13, v2;
	v40 =	vmul.f32 v5, v9;
	v41 =	vmul.f32 v10, v6  }
0x165: {  	v45 =	vmul.f32 v31, v38;
	v7 =	vadd.f32 v37, v7;
	v43 =	vmul.f32 v6, v9  }
0x166: {  	v44 =	vmul.f32 v10, v4;
	v15 =	vsub.f32 v39, v17;
	v12 =	vsub.f32 v40, v41  }
0x167: {  	v42 =	vmul.f32 v20, v38;
	v11 =	vmul.f32 v33, v38;
	v3 =	vadd.f32 v45, v3  }
0x168: {  	v46 =	vsub.f32 v43, v44;
	v47 =	vmul.f32 v15, v7;
	v48 =	vmul.f32 v12, v9  }
0x169: {  	v8 =	vadd.f32 v42, v8;
	v2 =	vadd.f32 v11, v2  }
0x16a: {  	v52 =	vmul.f32 v5, v3;
	v50 =	vmul.f32 v46, v10;
	v49 =	vsub.f32 v47, v48  }
0x16b: {  	v5 =	vmul.f32 v5, v8;
	v57 =	vmul.f32 v3, v6  }
0x16c: {  	v58 =	vmul.f32 v10, v3;
	v53 =	vmul.f32 v6, v2;
	v11 =	vadd.f32 v49, v50  }
0x16d: {  	v54 =	vmul.f32 v10, v2;
	v56 =	vmul.f32 v2, v4  }
0x16e: {  	v6 =	vmul.f32 v6, v8;
	(erf) = vrcp.f32 v11  }
0x16f: {  	v15 =	vmul.f32 v15, v8;
	v12 =	vmul.f32 v12, v3  }
0x170: {  	v51 =	vmul.f32 v46, v2;
	v14 =	vsub.f32 v52, v53;
	v2 =	vmul.f32 v2, v9  }
0x171: {  	v4 =	vmul.f32 v8, v4;
	v5 =	vsub.f32 v5, v54;
	v55 =	vsub.f32 v15, v12  }
0x172: {  	v3 =	vmul.f32 v3, v9;
	v12 =	vsub.f32 v56, v57;
	v2 =	vsub.f32 v2, v6  }
0x173: {  	v59 =	vmul.f32 v14, v7;
	v5 =	vmul.f32 v5, v9;
	v6 =	vsub.f32 v6, v58  }
0x174: {  	v3 =	vsub.f32 v3, v4;
	v7 =	vmul.f32 v12, v7;
	v2 =	vmul.f32 v2, v9  }
0x175: {  	v60 =	vsub.f32 v59, v5;
	v61 =	vmul.f32 v6, v10  }
0x176: {  	v62 =	vadd.f32 v55, v51;
	v3 =	vmul.f32 v3, v10;
	v2 =	vsub.f32 v7, v2  }
0x177: {  	p0 =	sne.s32 s2, $0xE1E;
	v4 =	vadd.f32 v60, v61;
	v63 =	vpop (erf)  }
.Ltmp0:
0x178: {  	v2 =	vadd.f32 v2, v3;
	v3 =	vmul.f32 v63, v62;
	(pc) =	sbr.rel @p0 .LBB2_3-.Ltmp0, $4  }
0x179: {  	v4 =	vmul.f32 v63, v4  }
0x17a: {  	v2 =	vmul.f32 v63, v2;
	[tilespmem:s0+$0x0] =	vst v3  }
0x17b: {  	s2 =	sadd.s32 $0x200, s2;
	[tilespmem:s8+$0x0] =	vst v4  }
0x17c: {  	s0 =	sadd.s32 $0x10, s0;
	s8 =	sadd.s32 $0x10, s8;
	[tilespmem:s9+$0x0] =	vst v2;
	s9 =	sadd.s32 $0x10, s9  }
0x17d: {  	s0 =	sshll.u32 s31, $0x7  }
0x17e: {  	s0 =	sadd.s32 s11, s0  }
0x17f: {  	s2 =	rddreg [dreg:$0x1];
	s0 =	sshrl.u32 s0, $0x3  }
0x180: {  	s2 =	sadd.s32 s2, s0  }
0x181: {  	[hbm4b:s2+s6] =	stream.linear.scatter [tilespmem:s28], [sflag:$0x2], $0x80, $0x38;
	[tilespmem:$0xF380] =	vst v63  }
0x182: {  	_ =	swait.ge [sflag:s14], $0x80  }
0x183: {  	[sflag:s14] =	ssyncset.done $0x0  }
0x184: {  	[sflag:s14] =	ssyncadd.s32 $0xFFFFFF80  }
0x185: {  	s9 =	rddreg [dreg:$0x2]  }
0x186: {  	s2 =	sadd.s32 s9, s0  }
0x187: {  	[hbm4b:s2+s6] =	stream.linear.scatter [tilespmem:s29], [sflag:$0x2], $0x80, $0x38;
	[tilespmem:$0xF380] =	vst v63  }
0x188: {  	_ =	swait.ge [sflag:s14], $0x80  }
0x189: {  	[sflag:s14] =	ssyncset.done $0x0  }
0x18a: {  	s31 =	sadd.s32 $0x1, s31;
	[sflag:s14] =	ssyncadd.s32 $0xFFFFFF80  }
0x18b: {  	p0 =	sne.s32 s31, $0x19;
	s12 =	rddreg [dreg:$0x3]  }
.Ltmp1:
0x18c: {  	s0 =	sadd.s32 s12, s0;
	(pc) =	sbr.rel @p0 .LBB2_2-.Ltmp1, $4  }
0x18d: {  	[hbm4b:s0+s6] =	stream.linear.scatter [tilespmem:s30], [sflag:$0x2], $0x80, $0x38;
	[tilespmem:$0xF380] =	vst v63  }
0x18e: {  	_ =	swait.ge [sflag:s14], $0x80  }
0x18f: {  	[sflag:s14] =	ssyncset.done $0x0  }
0x190: {  	[sflag:s14] =	ssyncadd.s32 $0xFFFFFF80  }
0x191: {  	s2 =	rddreg [dreg:$0xa]  }
0x192: {  	s0 =	rddreg [dreg:$0x8];
	s2 =	sadd.s32 $0x1, s2  }
0x193: {  	p0 =	sne.s32 s2, s0  }
.Ltmp2:
0x194: {  	_ = 	snop;
	(pc) =	sbr.rel @p0 .LBB2_1-.Ltmp2, $1  }
0x195: {  	_ =	sdelay $0x3  }
0x196: {  	_ =	sfence.sel $0x180000  }
0x197: {  	[bflag:$0x0] =	sbarrier.arrive $0xFFFF  }
0x198: {  	_ =	strace $0x90000047  }
0x199: {  	s0 =	stileid.u32;
	[bflag:$0x2] =	sbarrier.arrive $0xFFFF  }
0x19a: {  	p0 =	sne.s32 s0, $0x0;
	s0 =	rddreg [dreg:$0x5]  }
0x19b: {  	s0 =	sadd.s32 @!p0 $0x100000, s0  }
0x19c: {  	[sflag:s0] =	ssyncadd.tile.s32 @!p0 $0x1;
	_ =	shalt  }
.Lfunc_end2:
_tile_overlayer_lowered:
.L_overlay_start_2:
0x19d: {  	(tag) =	ssettag $0x2  }
0x19e: {  	s0 =	rddreg [dreg:$0x0];
	s2 =	stileid.u32  }
0x19f: {  	s1 =	rddreg [dreg:$0x1];
	p0 =	sne.s32 s2, $0x0  }
0x1a0: {  	s3 =	rddreg [dreg:$0x2];
	[bflag:$0x3] =	sbarrier.arrive $0xFFFF;
	s2 =	simm.s32 @!p0 $0x1C02  }
0x1a1: {  	[timem:s3], [sflag:s2] =	dma.local @!p0 [hbm:s0], s1  }
0x1a2: {  	s0 =	simm.s32 @!p0 $0x2  }
0x1a3: {  	_ =	swait.ge @!p0 [sflag:s0], s1  }
0x1a4: {  	s1 =	ssub.s32 @!p0 $0x0, s1;
	[sflag:s0] =	ssyncset.done @!p0 $0x0  }
0x1a5: {  	[sflag:s0] =	ssyncadd.s32 @!p0 s1  }
0x1a6: {  	[bflag:$0x3] =	sbarrier.arrive $0xFFFF  }
0x1a7: {  	_ =	shalt  }

</sc_bundles>
